<compile_context>
chip_gen: v7x
topology: tpu7x:2x2x1
jax: 0.10.2.dev20260603
libtpu: 0.0.44.dev20260713+nightly
codegen_flags: <defaults>
</compile_context>

<pallas_src>
import functools

import jax
import jax.numpy as jnp
from jax import lax
from jax.experimental import pallas as pl
from jax.experimental.pallas import tpu as pltpu
from jax.experimental.pallas import tpu_sc as plsc

_K = 1024
_C = 256
_P = 1024
_B = 8
_BETA = 0.25
_N_TOK = _B * _P
_N_ELEM = _N_TOK * _C


def _outer(x_hbm, cb_ref, xq_hbm, idx_hbm, loss_ref, perp_ref,
           acc_d, acc_sq, acc_cnt):
    acc_d[...] = jnp.zeros_like(acc_d)
    acc_sq[...] = jnp.zeros_like(acc_sq)
    acc_cnt[...] = jnp.zeros_like(acc_cnt)

    cb = cb_ref[...]
    cnorm = jnp.sum(cb * cb, axis=1, keepdims=True)
    k2 = lax.broadcasted_iota(jnp.int32, (_K, 2), 0)
    csel = lax.broadcasted_iota(jnp.int32, (_K, 2), 1)
    kcols = jnp.where(csel == 0, k2 >> 3, k2 & 7).astype(jnp.float32)

    def _tile(x_ref, xq_ref, idx_ref):
        xb = x_ref[0]
        xnorm = jnp.sum(xb * xb, axis=0, keepdims=True)
        scores = lax.dot_general(cb, xb, (((1,), (0,)), ((), ())),
                                 preferred_element_type=jnp.float32)
        dist = (xnorm + cnorm) - 2.0 * scores

        mval = jnp.min(dist, axis=0, keepdims=True)
        iota_k = lax.broadcasted_iota(jnp.int32, (_K, _P), 0)
        idx_row = jnp.min(jnp.where(dist == mval, iota_k, _K),
                          axis=0, keepdims=True)

        onehot_t = (iota_k == idx_row).astype(jnp.float32)

        xq = lax.dot_general(cb, onehot_t, (((0,), (0,)), ((), ())),
                             preferred_element_type=jnp.float32)

        parts = lax.dot_general(onehot_t, kcols, (((0,), (0,)), ((), ())),
                                preferred_element_type=jnp.float32)
        idx_col = (parts[:, 0:1] * 8.0 + parts[:, 1:2]).astype(jnp.int32)

        idx_ref[...] = idx_col
        xq_ref[0] = xb + (xq - xb)

        diff = xb - xq
        ones_row = jnp.full((1, _C), 1.0, jnp.float32)
        acc_d[...] += lax.dot_general(ones_row, diff,
                                      (((1,), (0,)), ((), ())),
                                      preferred_element_type=jnp.float32)
        acc_sq[...] += lax.dot_general(ones_row, diff * diff,
                                       (((1,), (0,)), ((), ())),
                                       preferred_element_type=jnp.float32)
        ones_col = jnp.full((_P, 1), 1.0, jnp.float32)
        acc_cnt[...] += lax.dot_general(onehot_t, ones_col,
                                        (((1,), (0,)), ((), ())),
                                        preferred_element_type=jnp.float32)

    pltpu.emit_pipeline(
        _tile,
        grid=(_B,),
        in_specs=[pl.BlockSpec((1, _C, _P), lambda g: (g, 0, 0))],
        out_specs=[
            pl.BlockSpec((1, _C, _P), lambda g: (g, 0, 0)),
            pl.BlockSpec((_P, 1), lambda g: (g, 0)),
        ],
    )(x_hbm, xq_hbm, idx_hbm)

    inv_n = 1.0 / _N_ELEM
    sum_d = jnp.sum(acc_d[...], keepdims=True)
    sum_sq = jnp.sum(acc_sq[...], keepdims=True)
    loss_ref[...] = _BETA * sum_d * inv_n + sum_sq * inv_n
    e_mean = acc_cnt[...] * (1.0 / _N_TOK)
    ent = jnp.sum(e_mean * jnp.log(e_mean + 1e-10), keepdims=True)
    perp_ref[...] = jnp.exp(-ent)


def _tc_part(x3, codebook):
    out_shapes = (
        jax.ShapeDtypeStruct((_B, _C, _P), jnp.float32),
        jax.ShapeDtypeStruct((_N_TOK, 1), jnp.int32),
        jax.ShapeDtypeStruct((1, 1), jnp.float32),
        jax.ShapeDtypeStruct((1, 1), jnp.float32),
    )
    return pl.pallas_call(
        _outer,
        in_specs=[
            pl.BlockSpec(memory_space=pltpu.HBM),
            pl.BlockSpec(memory_space=pltpu.VMEM),
        ],
        out_specs=(
            pl.BlockSpec(memory_space=pltpu.HBM),
            pl.BlockSpec(memory_space=pltpu.HBM),
            pl.BlockSpec(memory_space=pltpu.VMEM),
            pl.BlockSpec(memory_space=pltpu.VMEM),
        ),
        out_shape=out_shapes,
        scratch_shapes=[
            pltpu.VMEM((1, _P), jnp.float32),
            pltpu.VMEM((1, _P), jnp.float32),
            pltpu.VMEM((_K, 1), jnp.float32),
        ],
        compiler_params=pltpu.CompilerParams(
            vmem_limit_bytes=100 * 1024 * 1024),
    )(x3, codebook)



_NW = 32
_BPW = _N_TOK // _NW
_CHUNK = 64


def _sc_enc_kernel(table_hbm, idx_hbm, out_hbm, idx_v, rows_v, sem):
    wid = lax.axis_index("s") * 2 + lax.axis_index("c")
    base = wid * _BPW
    for j in range(_BPW // _CHUNK):
        off = base + j * _CHUNK
        pltpu.sync_copy(idx_hbm.at[pl.ds(off, _CHUNK)], idx_v)
        pltpu.async_copy(table_hbm.at[idx_v], rows_v, sem).wait()
        pltpu.sync_copy(rows_v, out_hbm.at[pl.ds(off, _CHUNK)])


_sc_enc = pl.kernel(
    _sc_enc_kernel,
    out_type=jax.ShapeDtypeStruct((_N_TOK, _K), jnp.float32),
    mesh=plsc.VectorSubcoreMesh(core_axis_name="c", subcore_axis_name="s"),
    scratch_types=[
        pltpu.VMEM((_CHUNK,), jnp.int32),
        pltpu.VMEM((_CHUNK, _K), jnp.float32),
        pltpu.SemaphoreType.DMA,
    ],
)


@jax.jit
def kernel(x, codebook):
    x3 = x.reshape(_B, _C, _P)
    xq, idx, loss, perp = _tc_part(x3, codebook)
    eye = jnp.eye(_K, dtype=jnp.float32)
    enc = _sc_enc(eye, idx.reshape(_N_TOK))
    xq4 = xq.reshape(_B, _C, 32, 32)
    return (xq4, loss[0, 0], perp[0, 0], enc, idx)

# --- scband reference (transcript-rebuilt; emitter-appended) ---
"""Pipeline reference for scband-vector-quantizer-1408749273532 (READ-ONLY COPY).

The authoritative reference and input builder live on the scoring server;
editing this copy changes nothing except your own understanding.
"""

import jax, jax.numpy as jnp
import numpy as np

CODEBOOK_SIZE = 1024
TOKEN_SIZE = 256
BETA = 0.25


def setup_inputs(seed: int = 0) -> dict:
    key = jax.random.key(seed)
    k1, k2 = jax.random.split(key)
    x = jax.random.normal(k1, (8, 256, 32, 32), dtype=jnp.float32)
    codebook = jax.random.uniform(
        k2, (CODEBOOK_SIZE, TOKEN_SIZE),
        minval=-1.0 / CODEBOOK_SIZE, maxval=1.0 / CODEBOOK_SIZE,
        dtype=jnp.float32)
    return {"x": x, "codebook": codebook}


def reference(x, codebook):
    # b c h w -> b h w c
    x_p = jnp.transpose(x, (0, 2, 3, 1))
    x_flat = x_p.reshape(-1, TOKEN_SIZE)
    # squared-distance matrix [N_tokens, K]
    d = (jnp.sum(x_flat ** 2, axis=1, keepdims=True)
         + jnp.sum(codebook ** 2, axis=1)
         - 2.0 * jnp.einsum('bd,dn->bn', x_flat, codebook.T))
    min_encoding_indices = jnp.argmin(d, axis=1)[:, None]
    min_encodings = jax.nn.one_hot(min_encoding_indices[:, 0], CODEBOOK_SIZE, dtype=x.dtype)
    # codebook lookup (gather) and reshape back to [b, h, w, c]
    x_q = jnp.take(codebook, min_encoding_indices[:, 0], axis=0).reshape(x_p.shape)
    # faithful to the original (including the non-squared first term)
    loss = (BETA * jnp.mean(jax.lax.stop_gradient(x_p) - x_q)
            + jnp.mean((x_p - jax.lax.stop_gradient(x_q)) ** 2))
    # straight-through estimator
    x_q = x_p + jax.lax.stop_gradient(x_q - x_p)
    e_mean = jnp.mean(min_encodings, axis=0)
    perplexity = jnp.exp(-jnp.sum(e_mean * jnp.log(e_mean + 1e-10)))
    # b h w c -> b c h w
    x_q = jnp.transpose(x_q, (0, 3, 1, 2))
    return (x_q, loss, perplexity, min_encodings, min_encoding_indices)

if __name__ == "__main__":
    import jax
    _d = setup_inputs()
    print(jax.jit(kernel)(*tuple(_d.values())))

</pallas_src>

<mosaic_0001>
#map = affine_map<(d0, d1) -> (0, 0)>
#map1 = affine_map<(d0, d1) -> (0)>
module attributes {stable_mosaic.version = 14 : i64} {
  func.func @_sc_enc_kernel(%arg0: i32, %arg1: i32, %arg2: memref<1024x1024xf32, #tpu.memory_space<hbm>>, %arg3: memref<8192xi32, #tpu.memory_space<hbm>>, %arg4: memref<8192x1024xf32, #tpu.memory_space<hbm>>, %arg5: memref<64xi32, #tpu.memory_space<vmem>>, %arg6: memref<64x1024xf32, #tpu.memory_space<vmem>>, %arg7: memref<!tpu.dma_semaphore, #tpu.memory_space<semaphore_mem>>) attributes {dimension_semantics = [#tpu.dimension_semantics<core_parallel>, #tpu.dimension_semantics<subcore_parallel>], iteration_bounds = array<i64: 2, 16>, scalar_prefetch = 0 : i64, scratch_operands = 3 : i64, tpu.core_type = #tpu.core_type<sc_vector_subcore>, window_params = [{transform_indices = #map}, {transform_indices = #map1}, {transform_indices = #map}]} {
    %mul3A = arith.constant 2 : i32
    %mul3A_0 = arith.muli %arg1, %mul3A : i32
    %add3A = arith.addi %mul3A_0, %arg0 : i32
    %mul3A_1 = arith.constant 256 : i32
    %mul3A_2 = arith.muli %add3A, %mul3A_1 : i32
    %add3A_3 = arith.constant 0 : i32
    %add3A_4 = arith.addi %mul3A_2, %add3A_3 : i32
    "tpu.region"() ({
      %run_scoped3A = tpu.sem_alloc : memref<!tpu.dma_semaphore, #tpu.memory_space<semaphore_mem>>
      %dma_start3A_33 = tpu.memref_slice %arg3[%add3A_4] : memref<8192xi32, #tpu.memory_space<hbm>> -> memref<64xi32, #tpu.memory_space<hbm>>
      %dma_start3A_34 = tpu.memref_slice %arg3[%add3A_4] : memref<8192xi32, #tpu.memory_space<hbm>> -> memref<64xi32, #tpu.memory_space<hbm>>
      tpu.enqueue_dma source(%dma_start3A_34 : memref<64xi32, #tpu.memory_space<hbm>>) target(%arg5 : memref<64xi32, #tpu.memory_space<vmem>>) target_semaphore(%run_scoped3A : memref<!tpu.dma_semaphore, #tpu.memory_space<semaphore_mem>>)
      %dma_wait3A_35 = tpu.memref_slice %arg3[%add3A_4] : memref<8192xi32, #tpu.memory_space<hbm>> -> memref<64xi32, #tpu.memory_space<hbm>>
      %dma_wait3A_36 = tpu.memref_slice %arg3[%add3A_4] : memref<8192xi32, #tpu.memory_space<hbm>> -> memref<64xi32, #tpu.memory_space<hbm>>
      tpu.wait_dma2 semaphore(%run_scoped3A : memref<!tpu.dma_semaphore, #tpu.memory_space<semaphore_mem>>) src(%dma_wait3A_36 : memref<64xi32, #tpu.memory_space<hbm>>) dst(%arg5 : memref<64xi32, #tpu.memory_space<vmem>>)
      tpu.yield
    }) : () -> ()
    %dma_start3A = arith.constant 0 : i32
    %dma_start3A_5 = arith.constant 0 : i32
    %dma_start3A_6 = tpu.memref_slice %arg2[%dma_start3A, %dma_start3A_5] : memref<1024x1024xf32, #tpu.memory_space<hbm>> -> memref<1024x1024xf32, #tpu.memory_space<hbm>>
    tpu.enqueue_indirect_dma source(%dma_start3A_6 : memref<1024x1024xf32, #tpu.memory_space<hbm>>) target(%arg6 : memref<64x1024xf32, #tpu.memory_space<vmem>>) offsets(%arg5 : memref<64xi32, #tpu.memory_space<vmem>>) semaphore(%arg7 : memref<!tpu.dma_semaphore, #tpu.memory_space<semaphore_mem>>)
    %dma_wait3A = arith.constant 0 : i32
    %dma_wait3A_7 = arith.constant 0 : i32
    %dma_wait3A_8 = tpu.memref_slice %arg2[%dma_wait3A, %dma_wait3A_7] : memref<1024x1024xf32, #tpu.memory_space<hbm>> -> memref<1024x1024xf32, #tpu.memory_space<hbm>>
    tpu.wait_indirect_dma semaphore(%arg7 : memref<!tpu.dma_semaphore, #tpu.memory_space<semaphore_mem>>) src(%dma_wait3A_8 : memref<1024x1024xf32, #tpu.memory_space<hbm>>) dst(%arg6 : memref<64x1024xf32, #tpu.memory_space<vmem>>)
    "tpu.region"() ({
      %run_scoped3A = tpu.sem_alloc : memref<!tpu.dma_semaphore, #tpu.memory_space<semaphore_mem>>
      %dma_start3A_33 = arith.constant 0 : i32
      %dma_start3A_34 = tpu.memref_slice %arg4[%add3A_4, %dma_start3A_33] : memref<8192x1024xf32, #tpu.memory_space<hbm>> -> memref<64x1024xf32, #tpu.memory_space<hbm>>
      %dma_start3A_35 = arith.constant 0 : i32
      %dma_start3A_36 = tpu.memref_slice %arg4[%add3A_4, %dma_start3A_35] : memref<8192x1024xf32, #tpu.memory_space<hbm>> -> memref<64x1024xf32, #tpu.memory_space<hbm>>
      tpu.enqueue_dma source(%arg6 : memref<64x1024xf32, #tpu.memory_space<vmem>>) target(%dma_start3A_36 : memref<64x1024xf32, #tpu.memory_space<hbm>>) target_semaphore(%run_scoped3A : memref<!tpu.dma_semaphore, #tpu.memory_space<semaphore_mem>>)
      %dma_wait3A_37 = arith.constant 0 : i32
      %dma_wait3A_38 = tpu.memref_slice %arg4[%add3A_4, %dma_wait3A_37] : memref<8192x1024xf32, #tpu.memory_space<hbm>> -> memref<64x1024xf32, #tpu.memory_space<hbm>>
      %dma_wait3A_39 = arith.constant 0 : i32
      %dma_wait3A_40 = tpu.memref_slice %arg4[%add3A_4, %dma_wait3A_39] : memref<8192x1024xf32, #tpu.memory_space<hbm>> -> memref<64x1024xf32, #tpu.memory_space<hbm>>
      tpu.wait_dma2 semaphore(%run_scoped3A : memref<!tpu.dma_semaphore, #tpu.memory_space<semaphore_mem>>) src(%arg6 : memref<64x1024xf32, #tpu.memory_space<vmem>>) dst(%dma_wait3A_40 : memref<64x1024xf32, #tpu.memory_space<hbm>>)
      tpu.yield
    }) : () -> ()
    %add3A_9 = arith.constant 64 : i32
    %add3A_10 = arith.addi %mul3A_2, %add3A_9 : i32
    "tpu.region"() ({
      %run_scoped3A = tpu.sem_alloc : memref<!tpu.dma_semaphore, #tpu.memory_space<semaphore_mem>>
      %dma_start3A_33 = tpu.memref_slice %arg3[%add3A_10] : memref<8192xi32, #tpu.memory_space<hbm>> -> memref<64xi32, #tpu.memory_space<hbm>>
      %dma_start3A_34 = tpu.memref_slice %arg3[%add3A_10] : memref<8192xi32, #tpu.memory_space<hbm>> -> memref<64xi32, #tpu.memory_space<hbm>>
      tpu.enqueue_dma source(%dma_start3A_34 : memref<64xi32, #tpu.memory_space<hbm>>) target(%arg5 : memref<64xi32, #tpu.memory_space<vmem>>) target_semaphore(%run_scoped3A : memref<!tpu.dma_semaphore, #tpu.memory_space<semaphore_mem>>)
      %dma_wait3A_35 = tpu.memref_slice %arg3[%add3A_10] : memref<8192xi32, #tpu.memory_space<hbm>> -> memref<64xi32, #tpu.memory_space<hbm>>
      %dma_wait3A_36 = tpu.memref_slice %arg3[%add3A_10] : memref<8192xi32, #tpu.memory_space<hbm>> -> memref<64xi32, #tpu.memory_space<hbm>>
      tpu.wait_dma2 semaphore(%run_scoped3A : memref<!tpu.dma_semaphore, #tpu.memory_space<semaphore_mem>>) src(%dma_wait3A_36 : memref<64xi32, #tpu.memory_space<hbm>>) dst(%arg5 : memref<64xi32, #tpu.memory_space<vmem>>)
      tpu.yield
    }) : () -> ()
    %dma_start3A_11 = arith.constant 0 : i32
    %dma_start3A_12 = arith.constant 0 : i32
    %dma_start3A_13 = tpu.memref_slice %arg2[%dma_start3A_11, %dma_start3A_12] : memref<1024x1024xf32, #tpu.memory_space<hbm>> -> memref<1024x1024xf32, #tpu.memory_space<hbm>>
    tpu.enqueue_indirect_dma source(%dma_start3A_13 : memref<1024x1024xf32, #tpu.memory_space<hbm>>) target(%arg6 : memref<64x1024xf32, #tpu.memory_space<vmem>>) offsets(%arg5 : memref<64xi32, #tpu.memory_space<vmem>>) semaphore(%arg7 : memref<!tpu.dma_semaphore, #tpu.memory_space<semaphore_mem>>)
    %dma_wait3A_14 = arith.constant 0 : i32
    %dma_wait3A_15 = arith.constant 0 : i32
    %dma_wait3A_16 = tpu.memref_slice %arg2[%dma_wait3A_14, %dma_wait3A_15] : memref<1024x1024xf32, #tpu.memory_space<hbm>> -> memref<1024x1024xf32, #tpu.memory_space<hbm>>
    tpu.wait_indirect_dma semaphore(%arg7 : memref<!tpu.dma_semaphore, #tpu.memory_space<semaphore_mem>>) src(%dma_wait3A_16 : memref<1024x1024xf32, #tpu.memory_space<hbm>>) dst(%arg6 : memref<64x1024xf32, #tpu.memory_space<vmem>>)
    "tpu.region"() ({
      %run_scoped3A = tpu.sem_alloc : memref<!tpu.dma_semaphore, #tpu.memory_space<semaphore_mem>>
      %dma_start3A_33 = arith.constant 0 : i32
      %dma_start3A_34 = tpu.memref_slice %arg4[%add3A_10, %dma_start3A_33] : memref<8192x1024xf32, #tpu.memory_space<hbm>> -> memref<64x1024xf32, #tpu.memory_space<hbm>>
      %dma_start3A_35 = arith.constant 0 : i32
      %dma_start3A_36 = tpu.memref_slice %arg4[%add3A_10, %dma_start3A_35] : memref<8192x1024xf32, #tpu.memory_space<hbm>> -> memref<64x1024xf32, #tpu.memory_space<hbm>>
      tpu.enqueue_dma source(%arg6 : memref<64x1024xf32, #tpu.memory_space<vmem>>) target(%dma_start3A_36 : memref<64x1024xf32, #tpu.memory_space<hbm>>) target_semaphore(%run_scoped3A : memref<!tpu.dma_semaphore, #tpu.memory_space<semaphore_mem>>)
      %dma_wait3A_37 = arith.constant 0 : i32
      %dma_wait3A_38 = tpu.memref_slice %arg4[%add3A_10, %dma_wait3A_37] : memref<8192x1024xf32, #tpu.memory_space<hbm>> -> memref<64x1024xf32, #tpu.memory_space<hbm>>
      %dma_wait3A_39 = arith.constant 0 : i32
      %dma_wait3A_40 = tpu.memref_slice %arg4[%add3A_10, %dma_wait3A_39] : memref<8192x1024xf32, #tpu.memory_space<hbm>> -> memref<64x1024xf32, #tpu.memory_space<hbm>>
      tpu.wait_dma2 semaphore(%run_scoped3A : memref<!tpu.dma_semaphore, #tpu.memory_space<semaphore_mem>>) src(%arg6 : memref<64x1024xf32, #tpu.memory_space<vmem>>) dst(%dma_wait3A_40 : memref<64x1024xf32, #tpu.memory_space<hbm>>)
      tpu.yield
    }) : () -> ()
    %add3A_17 = arith.constant 128 : i32
    %add3A_18 = arith.addi %mul3A_2, %add3A_17 : i32
    "tpu.region"() ({
      %run_scoped3A = tpu.sem_alloc : memref<!tpu.dma_semaphore, #tpu.memory_space<semaphore_mem>>
      %dma_start3A_33 = tpu.memref_slice %arg3[%add3A_18] : memref<8192xi32, #tpu.memory_space<hbm>> -> memref<64xi32, #tpu.memory_space<hbm>>
      %dma_start3A_34 = tpu.memref_slice %arg3[%add3A_18] : memref<8192xi32, #tpu.memory_space<hbm>> -> memref<64xi32, #tpu.memory_space<hbm>>
      tpu.enqueue_dma source(%dma_start3A_34 : memref<64xi32, #tpu.memory_space<hbm>>) target(%arg5 : memref<64xi32, #tpu.memory_space<vmem>>) target_semaphore(%run_scoped3A : memref<!tpu.dma_semaphore, #tpu.memory_space<semaphore_mem>>)
      %dma_wait3A_35 = tpu.memref_slice %arg3[%add3A_18] : memref<8192xi32, #tpu.memory_space<hbm>> -> memref<64xi32, #tpu.memory_space<hbm>>
      %dma_wait3A_36 = tpu.memref_slice %arg3[%add3A_18] : memref<8192xi32, #tpu.memory_space<hbm>> -> memref<64xi32, #tpu.memory_space<hbm>>
      tpu.wait_dma2 semaphore(%run_scoped3A : memref<!tpu.dma_semaphore, #tpu.memory_space<semaphore_mem>>) src(%dma_wait3A_36 : memref<64xi32, #tpu.memory_space<hbm>>) dst(%arg5 : memref<64xi32, #tpu.memory_space<vmem>>)
      tpu.yield
    }) : () -> ()
    %dma_start3A_19 = arith.constant 0 : i32
    %dma_start3A_20 = arith.constant 0 : i32
    %dma_start3A_21 = tpu.memref_slice %arg2[%dma_start3A_19, %dma_start3A_20] : memref<1024x1024xf32, #tpu.memory_space<hbm>> -> memref<1024x1024xf32, #tpu.memory_space<hbm>>
    tpu.enqueue_indirect_dma source(%dma_start3A_21 : memref<1024x1024xf32, #tpu.memory_space<hbm>>) target(%arg6 : memref<64x1024xf32, #tpu.memory_space<vmem>>) offsets(%arg5 : memref<64xi32, #tpu.memory_space<vmem>>) semaphore(%arg7 : memref<!tpu.dma_semaphore, #tpu.memory_space<semaphore_mem>>)
    %dma_wait3A_22 = arith.constant 0 : i32
    %dma_wait3A_23 = arith.constant 0 : i32
    %dma_wait3A_24 = tpu.memref_slice %arg2[%dma_wait3A_22, %dma_wait3A_23] : memref<1024x1024xf32, #tpu.memory_space<hbm>> -> memref<1024x1024xf32, #tpu.memory_space<hbm>>
    tpu.wait_indirect_dma semaphore(%arg7 : memref<!tpu.dma_semaphore, #tpu.memory_space<semaphore_mem>>) src(%dma_wait3A_24 : memref<1024x1024xf32, #tpu.memory_space<hbm>>) dst(%arg6 : memref<64x1024xf32, #tpu.memory_space<vmem>>)
    "tpu.region"() ({
      %run_scoped3A = tpu.sem_alloc : memref<!tpu.dma_semaphore, #tpu.memory_space<semaphore_mem>>
      %dma_start3A_33 = arith.constant 0 : i32
      %dma_start3A_34 = tpu.memref_slice %arg4[%add3A_18, %dma_start3A_33] : memref<8192x1024xf32, #tpu.memory_space<hbm>> -> memref<64x1024xf32, #tpu.memory_space<hbm>>
      %dma_start3A_35 = arith.constant 0 : i32
      %dma_start3A_36 = tpu.memref_slice %arg4[%add3A_18, %dma_start3A_35] : memref<8192x1024xf32, #tpu.memory_space<hbm>> -> memref<64x1024xf32, #tpu.memory_space<hbm>>
      tpu.enqueue_dma source(%arg6 : memref<64x1024xf32, #tpu.memory_space<vmem>>) target(%dma_start3A_36 : memref<64x1024xf32, #tpu.memory_space<hbm>>) target_semaphore(%run_scoped3A : memref<!tpu.dma_semaphore, #tpu.memory_space<semaphore_mem>>)
      %dma_wait3A_37 = arith.constant 0 : i32
      %dma_wait3A_38 = tpu.memref_slice %arg4[%add3A_18, %dma_wait3A_37] : memref<8192x1024xf32, #tpu.memory_space<hbm>> -> memref<64x1024xf32, #tpu.memory_space<hbm>>
      %dma_wait3A_39 = arith.constant 0 : i32
      %dma_wait3A_40 = tpu.memref_slice %arg4[%add3A_18, %dma_wait3A_39] : memref<8192x1024xf32, #tpu.memory_space<hbm>> -> memref<64x1024xf32, #tpu.memory_space<hbm>>
      tpu.wait_dma2 semaphore(%run_scoped3A : memref<!tpu.dma_semaphore, #tpu.memory_space<semaphore_mem>>) src(%arg6 : memref<64x1024xf32, #tpu.memory_space<vmem>>) dst(%dma_wait3A_40 : memref<64x1024xf32, #tpu.memory_space<hbm>>)
      tpu.yield
    }) : () -> ()
    %add3A_25 = arith.constant 192 : i32
    %add3A_26 = arith.addi %mul3A_2, %add3A_25 : i32
    "tpu.region"() ({
      %run_scoped3A = tpu.sem_alloc : memref<!tpu.dma_semaphore, #tpu.memory_space<semaphore_mem>>
      %dma_start3A_33 = tpu.memref_slice %arg3[%add3A_26] : memref<8192xi32, #tpu.memory_space<hbm>> -> memref<64xi32, #tpu.memory_space<hbm>>
      %dma_start3A_34 = tpu.memref_slice %arg3[%add3A_26] : memref<8192xi32, #tpu.memory_space<hbm>> -> memref<64xi32, #tpu.memory_space<hbm>>
      tpu.enqueue_dma source(%dma_start3A_34 : memref<64xi32, #tpu.memory_space<hbm>>) target(%arg5 : memref<64xi32, #tpu.memory_space<vmem>>) target_semaphore(%run_scoped3A : memref<!tpu.dma_semaphore, #tpu.memory_space<semaphore_mem>>)
      %dma_wait3A_35 = tpu.memref_slice %arg3[%add3A_26] : memref<8192xi32, #tpu.memory_space<hbm>> -> memref<64xi32, #tpu.memory_space<hbm>>
      %dma_wait3A_36 = tpu.memref_slice %arg3[%add3A_26] : memref<8192xi32, #tpu.memory_space<hbm>> -> memref<64xi32, #tpu.memory_space<hbm>>
      tpu.wait_dma2 semaphore(%run_scoped3A : memref<!tpu.dma_semaphore, #tpu.memory_space<semaphore_mem>>) src(%dma_wait3A_36 : memref<64xi32, #tpu.memory_space<hbm>>) dst(%arg5 : memref<64xi32, #tpu.memory_space<vmem>>)
      tpu.yield
    }) : () -> ()
    %dma_start3A_27 = arith.constant 0 : i32
    %dma_start3A_28 = arith.constant 0 : i32
    %dma_start3A_29 = tpu.memref_slice %arg2[%dma_start3A_27, %dma_start3A_28] : memref<1024x1024xf32, #tpu.memory_space<hbm>> -> memref<1024x1024xf32, #tpu.memory_space<hbm>>
    tpu.enqueue_indirect_dma source(%dma_start3A_29 : memref<1024x1024xf32, #tpu.memory_space<hbm>>) target(%arg6 : memref<64x1024xf32, #tpu.memory_space<vmem>>) offsets(%arg5 : memref<64xi32, #tpu.memory_space<vmem>>) semaphore(%arg7 : memref<!tpu.dma_semaphore, #tpu.memory_space<semaphore_mem>>)
    %dma_wait3A_30 = arith.constant 0 : i32
    %dma_wait3A_31 = arith.constant 0 : i32
    %dma_wait3A_32 = tpu.memref_slice %arg2[%dma_wait3A_30, %dma_wait3A_31] : memref<1024x1024xf32, #tpu.memory_space<hbm>> -> memref<1024x1024xf32, #tpu.memory_space<hbm>>
    tpu.wait_indirect_dma semaphore(%arg7 : memref<!tpu.dma_semaphore, #tpu.memory_space<semaphore_mem>>) src(%dma_wait3A_32 : memref<1024x1024xf32, #tpu.memory_space<hbm>>) dst(%arg6 : memref<64x1024xf32, #tpu.memory_space<vmem>>)
    "tpu.region"() ({
      %run_scoped3A = tpu.sem_alloc : memref<!tpu.dma_semaphore, #tpu.memory_space<semaphore_mem>>
      %dma_start3A_33 = arith.constant 0 : i32
      %dma_start3A_34 = tpu.memref_slice %arg4[%add3A_26, %dma_start3A_33] : memref<8192x1024xf32, #tpu.memory_space<hbm>> -> memref<64x1024xf32, #tpu.memory_space<hbm>>
      %dma_start3A_35 = arith.constant 0 : i32
      %dma_start3A_36 = tpu.memref_slice %arg4[%add3A_26, %dma_start3A_35] : memref<8192x1024xf32, #tpu.memory_space<hbm>> -> memref<64x1024xf32, #tpu.memory_space<hbm>>
      tpu.enqueue_dma source(%arg6 : memref<64x1024xf32, #tpu.memory_space<vmem>>) target(%dma_start3A_36 : memref<64x1024xf32, #tpu.memory_space<hbm>>) target_semaphore(%run_scoped3A : memref<!tpu.dma_semaphore, #tpu.memory_space<semaphore_mem>>)
      %dma_wait3A_37 = arith.constant 0 : i32
      %dma_wait3A_38 = tpu.memref_slice %arg4[%add3A_26, %dma_wait3A_37] : memref<8192x1024xf32, #tpu.memory_space<hbm>> -> memref<64x1024xf32, #tpu.memory_space<hbm>>
      %dma_wait3A_39 = arith.constant 0 : i32
      %dma_wait3A_40 = tpu.memref_slice %arg4[%add3A_26, %dma_wait3A_39] : memref<8192x1024xf32, #tpu.memory_space<hbm>> -> memref<64x1024xf32, #tpu.memory_space<hbm>>
      tpu.wait_dma2 semaphore(%run_scoped3A : memref<!tpu.dma_semaphore, #tpu.memory_space<semaphore_mem>>) src(%arg6 : memref<64x1024xf32, #tpu.memory_space<vmem>>) dst(%dma_wait3A_40 : memref<64x1024xf32, #tpu.memory_space<hbm>>)
      tpu.yield
    }) : () -> ()
    return
  }
}

module attributes {stable_mosaic.version = 14 : i64} {
  func.func @_outer(%arg0: memref<8x256x1024xf32, #tpu.memory_space<hbm>>, %arg1: memref<1024x256xf32, #tpu.memory_space<vmem>>, %arg2: memref<8x256x1024xf32, #tpu.memory_space<hbm>>, %arg3: memref<8192x1xi32, #tpu.memory_space<hbm>>, %arg4: memref<1x1xf32, #tpu.memory_space<vmem>>, %arg5: memref<1x1xf32, #tpu.memory_space<vmem>>, %arg6: memref<1x1024xf32, #tpu.memory_space<vmem>>, %arg7: memref<1x1024xf32, #tpu.memory_space<vmem>>, %arg8: memref<1024x1xf32, #tpu.memory_space<vmem>>) attributes {dimension_semantics = [], scalar_prefetch = 0 : i64, scratch_operands = 3 : i64, tpu.core_type = #tpu.core_type<tc>} {
    %broadcast_in_dim3A = arith.constant 0.000000e+00 : f32
    %broadcast_in_dim3A_0 = vector.broadcast %broadcast_in_dim3A : f32 to vector<1x1024xf32>
    %swap3A = arith.constant 0 : index
    %swap3A_1 = arith.constant 0 : index
    %swap3A_2 = vector.load %arg6[%swap3A, %swap3A_1] : memref<1x1024xf32, #tpu.memory_space<vmem>>, vector<1x1024xf32>
    tpu.vector_store %arg6[%swap3A, %swap3A_1], %broadcast_in_dim3A_0 {strides = array<i32>} : memref<1x1024xf32, #tpu.memory_space<vmem>>, vector<1x1024xf32>,
    %broadcast_in_dim3A_3 = arith.constant 0.000000e+00 : f32
    %broadcast_in_dim3A_4 = vector.broadcast %broadcast_in_dim3A_3 : f32 to vector<1x1024xf32>
    %swap3A_5 = arith.constant 0 : index
    %swap3A_6 = arith.constant 0 : index
    %swap3A_7 = vector.load %arg7[%swap3A_5, %swap3A_6] : memref<1x1024xf32, #tpu.memory_space<vmem>>, vector<1x1024xf32>
    tpu.vector_store %arg7[%swap3A_5, %swap3A_6], %broadcast_in_dim3A_4 {strides = array<i32>} : memref<1x1024xf32, #tpu.memory_space<vmem>>, vector<1x1024xf32>,
    %broadcast_in_dim3A_8 = arith.constant 0.000000e+00 : f32
    %broadcast_in_dim3A_9 = vector.broadcast %broadcast_in_dim3A_8 : f32 to vector<1024x1xf32>
    %swap3A_10 = arith.constant 0 : index
    %swap3A_11 = arith.constant 0 : index
    %swap3A_12 = vector.load %arg8[%swap3A_10, %swap3A_11] : memref<1024x1xf32, #tpu.memory_space<vmem>>, vector<1024x1xf32>
    tpu.vector_store %arg8[%swap3A_10, %swap3A_11], %broadcast_in_dim3A_9 {strides = array<i32>} : memref<1024x1xf32, #tpu.memory_space<vmem>>, vector<1024x1xf32>,
    %get3A = arith.constant 0 : index
    %get3A_13 = arith.constant 0 : index
    %get3A_14 = vector.load %arg1[%get3A, %get3A_13] : memref<1024x256xf32, #tpu.memory_space<vmem>>, vector<1024x256xf32>
    %mul3A = arith.mulf %get3A_14, %get3A_14 : vector<1024x256xf32>
    %reduce_sum3A = arith.constant dense<0.000000e+00> : vector<1024xf32>
    %reduce_sum3A_15 = vector.multi_reduction <add>, %mul3A, %reduce_sum3A [1] : vector<1024x256xf32> to vector<1024xf32>
    %broadcast_in_dim3A_16 = vector.shape_cast %reduce_sum3A_15 : vector<1024xf32> to vector<1024x1xf32>
    %iota3A = tpu.iota {dimensions = array<i32: 0>} : vector<1024x2xi32>
    %iota3A_17 = tpu.iota {dimensions = array<i32: 1>} : vector<1024x2xi32>
    %eq3A = arith.constant 0 : i32
    %eq3A_18 = vector.broadcast %eq3A : i32 to vector<1024x2xi32>
    %eq3A_19 = arith.cmpi eq, %iota3A_17, %eq3A_18 : vector<1024x2xi32>
    %shift_right_arithmetic3A = arith.constant 3 : i32
    %shift_right_arithmetic3A_20 = vector.broadcast %shift_right_arithmetic3A : i32 to vector<1024x2xi32>
    %shift_right_arithmetic3A_21 = arith.shrsi %iota3A, %shift_right_arithmetic3A_20 : vector<1024x2xi32>
    %and3A = arith.constant 7 : i32
    %and3A_22 = vector.broadcast %and3A : i32 to vector<1024x2xi32>
    %and3A_23 = arith.andi %iota3A, %and3A_22 : vector<1024x2xi32>
    %select_n3A = arith.select %eq3A_19, %shift_right_arithmetic3A_21, %and3A_23 : vector<1024x2xi1>, vector<1024x2xi32>
    %convert_element_type3A = arith.sitofp %select_n3A : vector<1024x2xi32> to vector<1024x2xf32>
    "tpu.region"() ({
      %run_scoped3A = memref.alloca() : memref<2x1x256x1024xf32, #tpu.memory_space<vmem>>
      %run_scoped3A_75 = tpu.sem_alloc : memref<2x!tpu.dma_semaphore, #tpu.memory_space<semaphore_mem>>
      %run_scoped3A_76 = memref.alloca() : memref<2x1x256x1024xf32, #tpu.memory_space<vmem>>
      %run_scoped3A_77 = tpu.sem_alloc : memref<2x!tpu.dma_semaphore, #tpu.memory_space<semaphore_mem>>
      %run_scoped3A_78 = memref.alloca() : memref<2x1024x1xi32, #tpu.memory_space<vmem>>
      %run_scoped3A_79 = tpu.sem_alloc : memref<2x!tpu.dma_semaphore, #tpu.memory_space<semaphore_mem>>
      %select_n3A_80 = arith.constant true
      %select_n3A_81 = arith.constant 0 : i32
      %select_n3A_82 = arith.constant -1 : i32
      %select_n3A_83 = arith.select %select_n3A_80, %select_n3A_82, %select_n3A_81 : i32
      %eq3A_84 = arith.constant -1 : i32
      %eq3A_85 = arith.cmpi eq, %select_n3A_83, %eq3A_84 : i32
      %select_n3A_86 = arith.constant 7 : i32
      %select_n3A_87 = arith.select %eq3A_85, %select_n3A_86, %select_n3A_83 : i32
      %add3A_88 = arith.constant 0 : i32
      %add3A_89 = arith.addi %select_n3A_87, %add3A_88 : i32
      %select_n3A_90 = arith.constant true
      %select_n3A_91 = arith.constant 0 : i32
      %select_n3A_92 = arith.constant 1 : i32
      %select_n3A_93 = arith.select %select_n3A_90, %select_n3A_92, %select_n3A_91 : i32
      %eq3A_94 = arith.constant 8 : i32
      %eq3A_95 = arith.cmpi eq, %select_n3A_93, %eq3A_94 : i32
      %select_n3A_96 = arith.constant 0 : i32
      %select_n3A_97 = arith.select %eq3A_95, %select_n3A_96, %select_n3A_93 : i32
      %add3A_98 = arith.constant 0 : i32
      %add3A_99 = arith.addi %select_n3A_97, %add3A_98 : i32
      %add3A_100 = arith.constant 1 : i32
      %add3A_101 = arith.addi %select_n3A_97, %add3A_100 : i32
      %select_n3A_102 = arith.constant true
      %select_n3A_103 = arith.select %select_n3A_102, %add3A_101, %select_n3A_97 : i32
      %eq3A_104 = arith.constant 8 : i32
      %eq3A_105 = arith.cmpi eq, %select_n3A_103, %eq3A_104 : i32
      %select_n3A_106 = arith.constant 0 : i32
      %select_n3A_107 = arith.select %eq3A_105, %select_n3A_106, %select_n3A_103 : i32
      %add3A_108 = arith.constant 0 : i32
      %add3A_109 = arith.addi %select_n3A_107, %add3A_108 : i32
      "tpu.trace_start"() <{level = 10 : i32, message = "ep_initialize_0"}> : () -> ()
      %rem3A = arith.constant 0 : i32
      %rem3A_110 = arith.constant 2 : i32
      %rem3A_111 = arith.remui %rem3A, %rem3A_110 : i32
      %dma_start3A = tpu.memref_slice %run_scoped3A_75[%rem3A_111] : memref<2x!tpu.dma_semaphore, #tpu.memory_space<semaphore_mem>> -> memref<1x!tpu.dma_semaphore, #tpu.memory_space<semaphore_mem>>
      %dma_start3A_112 = tpu.memref_squeeze %dma_start3A : memref<1x!tpu.dma_semaphore, #tpu.memory_space<semaphore_mem>> -> memref<!tpu.dma_semaphore, #tpu.memory_space<semaphore_mem>>
      %dma_start3A_113 = arith.constant 0 : i32
      %dma_start3A_114 = arith.constant 0 : i32
      %dma_start3A_115 = arith.constant 0 : i32
      %dma_start3A_116 = tpu.memref_slice %run_scoped3A[%rem3A_111, %dma_start3A_113, %dma_start3A_114, %dma_start3A_115] : memref<2x1x256x1024xf32, #tpu.memory_space<vmem>> -> memref<1x1x256x1024xf32, #tpu.memory_space<vmem>>
      %dma_start3A_117 = tpu.memref_squeeze %dma_start3A_116 : memref<1x1x256x1024xf32, #tpu.memory_space<vmem>> -> memref<1x256x1024xf32, #tpu.memory_space<vmem>>
      %dma_start3A_118 = arith.constant 0 : i32
      %dma_start3A_119 = arith.constant 0 : i32
      %dma_start3A_120 = arith.constant 0 : i32
      %dma_start3A_121 = tpu.memref_slice %arg0[%dma_start3A_118, %dma_start3A_119, %dma_start3A_120] : memref<8x256x1024xf32, #tpu.memory_space<hbm>> -> memref<1x256x1024xf32, #tpu.memory_space<hbm>>
      tpu.enqueue_dma source(%dma_start3A_121 : memref<1x256x1024xf32, #tpu.memory_space<hbm>>) target(%dma_start3A_117 : memref<1x256x1024xf32, #tpu.memory_space<vmem>>) target_semaphore(%dma_start3A_112 : memref<!tpu.dma_semaphore, #tpu.memory_space<semaphore_mem>>)
      %add3A_122 = arith.constant 0 : i32
      %add3A_123 = arith.constant 1 : i32
      %add3A_124 = arith.addi %add3A_122, %add3A_123 : i32
      %select_n3A_125 = arith.constant true
      %select_n3A_126 = arith.constant 0 : i32
      %select_n3A_127 = arith.select %select_n3A_125, %add3A_124, %select_n3A_126 : i32
      "tpu.trace_stop"() : () -> ()
      %scan3A = arith.constant 0 : i32
      %scan3A_128 = arith.constant 0 : i32
      %scan3A_129 = arith.constant 0 : i32
      %scan3A_130 = arith.constant 0 : i32
      %scan3A_131 = arith.constant 0 : i32
      %scan3A_132 = arith.constant 0 : i32
      %scan3A_133 = arith.constant 0 : i32
      %scan3A_134 = arith.constant 8 : i32
      %scan3A_135 = arith.addi %scan3A_133, %scan3A_134 : i32
      %scan3A_136 = arith.constant 1 : i32
      %scan3A_137:7 = scf.for %scan3A_203 = %scan3A_133 to %scan3A_135 step %scan3A_136 iter_args(%scan3A_204 = %select_n3A_127, %scan3A_205 = %scan3A, %scan3A_206 = %scan3A_128, %scan3A_207 = %scan3A_129, %scan3A_208 = %scan3A_130, %scan3A_209 = %scan3A_131, %scan3A_210 = %scan3A_132) -> (i32, i32, i32, i32, i32, i32, i32)  : i32 {
        %eq3A_211 = arith.constant 0 : i32
        %eq3A_212 = arith.cmpi eq, %scan3A_203, %eq3A_211 : i32
        %eq3A_213 = arith.constant 7 : i32
        %eq3A_214 = arith.cmpi eq, %scan3A_203, %eq3A_213 : i32
        %add3A_215 = arith.constant 0 : i32
        %add3A_216 = arith.addi %scan3A_210, %add3A_215 : i32
        %sub3A_217 = arith.constant 1 : i32
        %sub3A_218 = arith.subi %scan3A_210, %sub3A_217 : i32
        %select_n3A_219 = arith.constant true
        %select_n3A_220 = arith.select %select_n3A_219, %sub3A_218, %scan3A_210 : i32
        %eq3A_221 = arith.constant -1 : i32
        %eq3A_222 = arith.cmpi eq, %select_n3A_220, %eq3A_221 : i32
        %select_n3A_223 = arith.constant 7 : i32
        %select_n3A_224 = arith.select %eq3A_222, %select_n3A_223, %select_n3A_220 : i32
        %add3A_225 = arith.constant 0 : i32
        %add3A_226 = arith.addi %select_n3A_224, %add3A_225 : i32
        %add3A_227 = arith.constant 1 : i32
        %add3A_228 = arith.addi %scan3A_210, %add3A_227 : i32
        %select_n3A_229 = arith.constant true
        %select_n3A_230 = arith.select %select_n3A_229, %add3A_228, %scan3A_210 : i32
        %eq3A_231 = arith.constant 8 : i32
        %eq3A_232 = arith.cmpi eq, %select_n3A_230, %eq3A_231 : i32
        %select_n3A_233 = arith.constant 0 : i32
        %select_n3A_234 = arith.select %eq3A_232, %select_n3A_233, %select_n3A_230 : i32
        %add3A_235 = arith.constant 0 : i32
        %add3A_236 = arith.addi %select_n3A_234, %add3A_235 : i32
        %add3A_237 = arith.constant 1 : i32
        %add3A_238 = arith.addi %select_n3A_234, %add3A_237 : i32
        %select_n3A_239 = arith.constant true
        %select_n3A_240 = arith.select %select_n3A_239, %add3A_238, %select_n3A_234 : i32
        %eq3A_241 = arith.constant 8 : i32
        %eq3A_242 = arith.cmpi eq, %select_n3A_240, %eq3A_241 : i32
        %select_n3A_243 = arith.constant 0 : i32
        %select_n3A_244 = arith.select %eq3A_242, %select_n3A_243, %select_n3A_240 : i32
        %add3A_245 = arith.constant 0 : i32
        %add3A_246 = arith.addi %select_n3A_244, %add3A_245 : i32
        %ne3A = arith.cmpi ne, %add3A_216, %add3A_236 : i32
        %or3A = arith.constant false
        %or3A_247 = arith.ori %or3A, %ne3A : i1
        %or3A_248 = arith.constant false
        %or3A_249 = arith.ori %or3A_247, %or3A_248 : i1
        %or3A_250 = arith.constant false
        %or3A_251 = arith.ori %or3A_249, %or3A_250 : i1
        %ge3A = arith.constant 7 : i32
        %ge3A_252 = arith.cmpi sge, %scan3A_203, %ge3A : i32
        %not3A = arith.constant true
        %not3A_253 = arith.xori %ge3A_252, %not3A : i1
        %and3A_254 = arith.andi %or3A_251, %not3A_253 : i1
        %convert_element_type3A_255 = arith.extui %and3A_254 : i1 to i32
        %cond3A = arith.constant 0 : i32
        %cond3A_256 = arith.cmpi ne, %convert_element_type3A_255, %cond3A : i32
        scf.if %cond3A_256 {
          "tpu.trace_start"() <{level = 10 : i32, message = "ep_copy_in"}> : () -> ()
          %rem3A_530 = arith.constant 2 : i32
          %rem3A_531 = arith.remui %scan3A_204, %rem3A_530 : i32
          %mul3A_532 = arith.constant 1 : i32
          %mul3A_533 = arith.muli %mul3A_532, %add3A_236 : i32
          %dma_start3A_534 = tpu.memref_slice %run_scoped3A_75[%rem3A_531] : memref<2x!tpu.dma_semaphore, #tpu.memory_space<semaphore_mem>> -> memref<1x!tpu.dma_semaphore, #tpu.memory_space<semaphore_mem>>
          %dma_start3A_535 = tpu.memref_squeeze %dma_start3A_534 : memref<1x!tpu.dma_semaphore, #tpu.memory_space<semaphore_mem>> -> memref<!tpu.dma_semaphore, #tpu.memory_space<semaphore_mem>>
          %dma_start3A_536 = arith.constant 0 : i32
          %dma_start3A_537 = arith.constant 0 : i32
          %dma_start3A_538 = arith.constant 0 : i32
          %dma_start3A_539 = tpu.memref_slice %run_scoped3A[%rem3A_531, %dma_start3A_536, %dma_start3A_537, %dma_start3A_538] : memref<2x1x256x1024xf32, #tpu.memory_space<vmem>> -> memref<1x1x256x1024xf32, #tpu.memory_space<vmem>>
          %dma_start3A_540 = tpu.memref_squeeze %dma_start3A_539 : memref<1x1x256x1024xf32, #tpu.memory_space<vmem>> -> memref<1x256x1024xf32, #tpu.memory_space<vmem>>
          %dma_start3A_541 = arith.constant 0 : i32
          %dma_start3A_542 = arith.constant 0 : i32
          %dma_start3A_543 = tpu.memref_slice %arg0[%mul3A_533, %dma_start3A_541, %dma_start3A_542] : memref<8x256x1024xf32, #tpu.memory_space<hbm>> -> memref<1x256x1024xf32, #tpu.memory_space<hbm>>
          tpu.enqueue_dma source(%dma_start3A_543 : memref<1x256x1024xf32, #tpu.memory_space<hbm>>) target(%dma_start3A_540 : memref<1x256x1024xf32, #tpu.memory_space<vmem>>) target_semaphore(%dma_start3A_535 : memref<!tpu.dma_semaphore, #tpu.memory_space<semaphore_mem>>)
          "tpu.trace_stop"() : () -> ()
        } else {
        }
        %and3A_257 = arith.constant true
        %and3A_258 = arith.andi %and3A_254, %and3A_257 : i1
        %add3A_259 = arith.constant 1 : i32
        %add3A_260 = arith.addi %scan3A_204, %add3A_259 : i32
        %select_n3A_261 = arith.select %and3A_258, %add3A_260, %scan3A_204 : i32
        %ne3A_262 = arith.cmpi ne, %add3A_216, %add3A_236 : i32
        %or3A_263 = arith.constant false
        %or3A_264 = arith.ori %or3A_263, %ne3A_262 : i1
        %or3A_265 = arith.constant false
        %or3A_266 = arith.ori %or3A_264, %or3A_265 : i1
        %or3A_267 = arith.constant false
        %or3A_268 = arith.ori %or3A_266, %or3A_267 : i1
        %ge3A_269 = arith.constant 7 : i32
        %ge3A_270 = arith.cmpi sge, %scan3A_203, %ge3A_269 : i32
        %not3A_271 = arith.constant true
        %not3A_272 = arith.xori %ge3A_270, %not3A_271 : i1
        %and3A_273 = arith.andi %or3A_268, %not3A_272 : i1
        %ne3A_274 = arith.cmpi ne, %add3A_216, %add3A_236 : i32
        %or3A_275 = arith.constant false
        %or3A_276 = arith.ori %or3A_275, %ne3A_274 : i1
        %or3A_277 = arith.constant false
        %or3A_278 = arith.ori %or3A_276, %or3A_277 : i1
        %ge3A_279 = arith.constant 7 : i32
        %ge3A_280 = arith.cmpi sge, %scan3A_203, %ge3A_279 : i32
        %not3A_281 = arith.constant true
        %not3A_282 = arith.xori %ge3A_280, %not3A_281 : i1
        %and3A_283 = arith.andi %or3A_278, %not3A_282 : i1
        %ne3A_284 = arith.cmpi ne, %add3A_216, %add3A_226 : i32
        %or3A_285 = arith.constant false
        %or3A_286 = arith.ori %or3A_285, %ne3A_284 : i1
        %or3A_287 = arith.constant false
        %or3A_288 = arith.ori %or3A_286, %or3A_287 : i1
        %or3A_289 = arith.constant false
        %or3A_290 = arith.ori %or3A_288, %or3A_289 : i1
        %or3A_291 = arith.ori %or3A_290, %eq3A_212 : i1
        %convert_element_type3A_292 = arith.extui %or3A_291 : i1 to i32
        %cond3A_293 = arith.constant 0 : i32
        %cond3A_294 = arith.cmpi ne, %convert_element_type3A_292, %cond3A_293 : i32
        scf.if %cond3A_294 {
          "tpu.trace_start"() <{level = 10 : i32, message = "ep_wait_in"}> : () -> ()
          %mul3A_530 = arith.constant 1 : i32
          %mul3A_531 = arith.muli %mul3A_530, %add3A_216 : i32
          %rem3A_532 = arith.constant 2 : i32
          %rem3A_533 = arith.remui %scan3A_205, %rem3A_532 : i32
          %dma_wait3A_534 = tpu.memref_slice %run_scoped3A_75[%rem3A_533] : memref<2x!tpu.dma_semaphore, #tpu.memory_space<semaphore_mem>> -> memref<1x!tpu.dma_semaphore, #tpu.memory_space<semaphore_mem>>
          %dma_wait3A_535 = tpu.memref_squeeze %dma_wait3A_534 : memref<1x!tpu.dma_semaphore, #tpu.memory_space<semaphore_mem>> -> memref<!tpu.dma_semaphore, #tpu.memory_space<semaphore_mem>>
          %dma_wait3A_536 = arith.constant 0 : i32
          %dma_wait3A_537 = arith.constant 0 : i32
          %dma_wait3A_538 = arith.constant 0 : i32
          %dma_wait3A_539 = tpu.memref_slice %run_scoped3A[%rem3A_533, %dma_wait3A_536, %dma_wait3A_537, %dma_wait3A_538] : memref<2x1x256x1024xf32, #tpu.memory_space<vmem>> -> memref<1x1x256x1024xf32, #tpu.memory_space<vmem>>
          %dma_wait3A_540 = tpu.memref_squeeze %dma_wait3A_539 : memref<1x1x256x1024xf32, #tpu.memory_space<vmem>> -> memref<1x256x1024xf32, #tpu.memory_space<vmem>>
          %dma_wait3A_541 = arith.constant 0 : i32
          %dma_wait3A_542 = arith.constant 0 : i32
          %dma_wait3A_543 = tpu.memref_slice %arg0[%mul3A_531, %dma_wait3A_541, %dma_wait3A_542] : memref<8x256x1024xf32, #tpu.memory_space<hbm>> -> memref<1x256x1024xf32, #tpu.memory_space<hbm>>
          tpu.wait_dma2 semaphore(%dma_wait3A_535 : memref<!tpu.dma_semaphore, #tpu.memory_space<semaphore_mem>>) src(%dma_wait3A_543 : memref<1x256x1024xf32, #tpu.memory_space<hbm>>) dst(%dma_wait3A_540 : memref<1x256x1024xf32, #tpu.memory_space<vmem>>)
          "tpu.trace_stop"() : () -> ()
        } else {
        }
        %ne3A_295 = arith.cmpi ne, %add3A_216, %add3A_226 : i32
        %or3A_296 = arith.constant false
        %or3A_297 = arith.ori %or3A_296, %ne3A_295 : i1
        %or3A_298 = arith.constant false
        %or3A_299 = arith.ori %or3A_297, %or3A_298 : i1
        %or3A_300 = arith.constant false
        %or3A_301 = arith.ori %or3A_299, %or3A_300 : i1
        %or3A_302 = arith.ori %or3A_301, %eq3A_212 : i1
        %convert_element_type3A_303 = arith.extui %or3A_302 : i1 to i32
        %cond3A_304 = arith.constant 0 : i32
        %cond3A_305 = arith.cmpi ne, %convert_element_type3A_303, %cond3A_304 : i32
        scf.if %cond3A_305 {
        } else {
        }
        %ne3A_306 = arith.cmpi ne, %add3A_216, %add3A_226 : i32
        %or3A_307 = arith.constant false
        %or3A_308 = arith.ori %or3A_307, %ne3A_306 : i1
        %or3A_309 = arith.constant false
        %or3A_310 = arith.ori %or3A_308, %or3A_309 : i1
        %or3A_311 = arith.ori %or3A_310, %eq3A_212 : i1
        %convert_element_type3A_312 = arith.extui %or3A_311 : i1 to i32
        %cond3A_313 = arith.constant 0 : i32
        %cond3A_314 = arith.cmpi ne, %convert_element_type3A_312, %cond3A_313 : i32
        scf.if %cond3A_314 {
        } else {
        }
        %rem3A_315 = arith.constant 2 : i32
        %rem3A_316 = arith.remui %scan3A_205, %rem3A_315 : i32
        %rem3A_317 = arith.constant 2 : i32
        %rem3A_318 = arith.remui %scan3A_206, %rem3A_317 : i32
        %rem3A_319 = arith.constant 2 : i32
        %rem3A_320 = arith.remui %scan3A_208, %rem3A_319 : i32
        "tpu.trace_start"() <{level = 10 : i32, message = "ep_run_kernel"}> : () -> ()
        %get3A_321 = arith.constant 0 : i32
        %get3A_322 = arith.constant 0 : i32
        %get3A_323 = arith.constant 0 : i32
        %get3A_324 = tpu.memref_slice %run_scoped3A[%rem3A_316, %get3A_321, %get3A_322, %get3A_323] : memref<2x1x256x1024xf32, #tpu.memory_space<vmem>> -> memref<1x1x256x1024xf32, #tpu.memory_space<vmem>>
        %get3A_325 = tpu.memref_squeeze %get3A_324 : memref<1x1x256x1024xf32, #tpu.memory_space<vmem>> -> memref<1x256x1024xf32, #tpu.memory_space<vmem>>
        %get3A_326 = arith.constant 0 : index
        %get3A_327 = arith.constant 0 : index
        %get3A_328 = arith.constant 0 : index
        %get3A_329 = vector.load %get3A_325[%get3A_326, %get3A_327, %get3A_328] : memref<1x256x1024xf32, #tpu.memory_space<vmem>>, vector<1x256x1024xf32>
        %get3A_330 = vector.shape_cast %get3A_329 : vector<1x256x1024xf32> to vector<256x1024xf32>
        %mul3A_331 = arith.mulf %get3A_330, %get3A_330 : vector<256x1024xf32>
        %reduce_sum3A_332 = arith.constant dense<0.000000e+00> : vector<1024xf32>
        %reduce_sum3A_333 = vector.multi_reduction <add>, %mul3A_331, %reduce_sum3A_332 [0] : vector<256x1024xf32> to vector<1024xf32>
        %broadcast_in_dim3A_334 = vector.shape_cast %reduce_sum3A_333 : vector<1024xf32> to vector<1x1024xf32>
        %dot_general3A = arith.constant dense<0.000000e+00> : vector<1024x1024xf32>
        %dot_general3A_335 = tpu.matmul %get3A_14, %get3A_330, %dot_general3A {dimension_numbers = #tpu.dot_dimension_numbers<[1], [0], [0], [1], [0, 0, 1, 1], [], []>, transpose_lhs_hint = false} : vector<1024x256xf32>, vector<256x1024xf32>, vector<1024x1024xf32> -> vector<1024x1024xf32>
        %add3A_336 = vector.broadcast %broadcast_in_dim3A_334 : vector<1x1024xf32> to vector<1024x1024xf32>
        %add3A_337 = vector.broadcast %broadcast_in_dim3A_16 : vector<1024x1xf32> to vector<1024x1024xf32>
        %add3A_338 = arith.addf %add3A_336, %add3A_337 : vector<1024x1024xf32>
        %mul3A_339 = arith.constant 2.000000e+00 : f32
        %mul3A_340 = vector.broadcast %mul3A_339 : f32 to vector<1024x1024xf32>
        %mul3A_341 = arith.mulf %mul3A_340, %dot_general3A_335 : vector<1024x1024xf32>
        %sub3A_342 = arith.subf %add3A_338, %mul3A_341 : vector<1024x1024xf32>
        %reduce_min3A = arith.constant dense<0x7F800000> : vector<1024xf32>
        %reduce_min3A_343 = vector.multi_reduction <minimumf>, %sub3A_342, %reduce_min3A [0] : vector<1024x1024xf32> to vector<1024xf32>
        %broadcast_in_dim3A_344 = vector.shape_cast %reduce_min3A_343 : vector<1024xf32> to vector<1x1024xf32>
        %iota3A_345 = tpu.iota {dimensions = array<i32: 0>} : vector<1024x1024xi32>
        %eq3A_346 = vector.broadcast %broadcast_in_dim3A_344 : vector<1x1024xf32> to vector<1024x1024xf32>
        %eq3A_347 = arith.cmpf oeq, %sub3A_342, %eq3A_346 : vector<1024x1024xf32>
        %jit3A = arith.constant 1024 : i32
        %broadcast_in_dim3A_348 = vector.broadcast %jit3A : i32 to vector<1024x1024xi32>
        %select_n3A_349 = arith.select %eq3A_347, %iota3A_345, %broadcast_in_dim3A_348 : vector<1024x1024xi1>, vector<1024x1024xi32>
        %reduce_min3A_350 = arith.constant dense<2147483647> : vector<1024xi32>
        %reduce_min3A_351 = vector.multi_reduction <minsi>, %select_n3A_349, %reduce_min3A_350 [0] : vector<1024x1024xi32> to vector<1024xi32>
        %broadcast_in_dim3A_352 = vector.shape_cast %reduce_min3A_351 : vector<1024xi32> to vector<1x1024xi32>
        %eq3A_353 = vector.broadcast %broadcast_in_dim3A_352 : vector<1x1024xi32> to vector<1024x1024xi32>
        %eq3A_354 = arith.cmpi eq, %iota3A_345, %eq3A_353 : vector<1024x1024xi32>
        %convert_element_type3A_355 = arith.extui %eq3A_354 : vector<1024x1024xi1> to vector<1024x1024xi32>
        %convert_element_type3A_356 = arith.sitofp %convert_element_type3A_355 : vector<1024x1024xi32> to vector<1024x1024xf32>
        %dot_general3A_357 = arith.constant dense<0.000000e+00> : vector<256x1024xf32>
        %dot_general3A_358 = tpu.matmul %get3A_14, %convert_element_type3A_356, %dot_general3A_357 {dimension_numbers = #tpu.dot_dimension_numbers<[0], [0], [1], [1], [0, 1, 1, 1], [], []>, transpose_lhs_hint = false} : vector<1024x256xf32>, vector<1024x1024xf32>, vector<256x1024xf32> -> vector<256x1024xf32>
        %dot_general3A_359 = arith.constant dense<0.000000e+00> : vector<1024x2xf32>
        %dot_general3A_360 = tpu.matmul %convert_element_type3A_356, %convert_element_type3A, %dot_general3A_359 {dimension_numbers = #tpu.dot_dimension_numbers<[0], [0], [1], [1], [0, 1, 1, 1], [], []>, transpose_lhs_hint = false} : vector<1024x1024xf32>, vector<1024x2xf32>, vector<1024x2xf32> -> vector<1024x2xf32>
        %slice3A = vector.extract_strided_slice %dot_general3A_360 {offsets = [0, 0], sizes = [1024, 1], strides = [1, 1]} : vector<1024x2xf32> to vector<1024x1xf32>
        %mul3A_361 = arith.constant 8.000000e+00 : f32
        %mul3A_362 = vector.broadcast %mul3A_361 : f32 to vector<1024x1xf32>
        %mul3A_363 = arith.mulf %slice3A, %mul3A_362 : vector<1024x1xf32>
        %slice3A_364 = vector.extract_strided_slice %dot_general3A_360 {offsets = [0, 1], sizes = [1024, 1], strides = [1, 1]} : vector<1024x2xf32> to vector<1024x1xf32>
        %add3A_365 = arith.addf %mul3A_363, %slice3A_364 : vector<1024x1xf32>
        %convert_element_type3A_366 = arith.fptosi %add3A_365 : vector<1024x1xf32> to vector<1024x1xi32>
        %swap3A_367 = arith.index_cast %rem3A_320 : i32 to index
        %swap3A_368 = arith.constant 0 : index
        %swap3A_369 = arith.constant 0 : index
        %swap3A_370 = vector.load %run_scoped3A_78[%swap3A_367, %swap3A_368, %swap3A_369] : memref<2x1024x1xi32, #tpu.memory_space<vmem>>, vector<1x1024x1xi32>
        %swap3A_371 = vector.shape_cast %swap3A_370 : vector<1x1024x1xi32> to vector<1024x1xi32>
        %swap3A_372 = vector.shape_cast %convert_element_type3A_366 : vector<1024x1xi32> to vector<1x1024x1xi32>
        tpu.vector_store %run_scoped3A_78[%swap3A_367, %swap3A_368, %swap3A_369], %swap3A_372 {strides = array<i32>} : memref<2x1024x1xi32, #tpu.memory_space<vmem>>, vector<1x1024x1xi32>,
        %sub3A_373 = arith.subf %dot_general3A_358, %get3A_330 : vector<256x1024xf32>
        %add3A_374 = arith.addf %get3A_330, %sub3A_373 : vector<256x1024xf32>
        %swap3A_375 = arith.constant 0 : i32
        %swap3A_376 = arith.constant 0 : i32
        %swap3A_377 = arith.constant 0 : i32
        %swap3A_378 = tpu.memref_slice %run_scoped3A_76[%rem3A_318, %swap3A_375, %swap3A_376, %swap3A_377] : memref<2x1x256x1024xf32, #tpu.memory_space<vmem>> -> memref<1x1x256x1024xf32, #tpu.memory_space<vmem>>
        %swap3A_379 = tpu.memref_squeeze %swap3A_378 : memref<1x1x256x1024xf32, #tpu.memory_space<vmem>> -> memref<1x256x1024xf32, #tpu.memory_space<vmem>>
        %swap3A_380 = arith.constant 0 : index
        %swap3A_381 = arith.constant 0 : index
        %swap3A_382 = arith.constant 0 : index
        %swap3A_383 = vector.load %swap3A_379[%swap3A_380, %swap3A_381, %swap3A_382] : memref<1x256x1024xf32, #tpu.memory_space<vmem>>, vector<1x256x1024xf32>
        %swap3A_384 = vector.shape_cast %swap3A_383 : vector<1x256x1024xf32> to vector<256x1024xf32>
        %swap3A_385 = vector.shape_cast %add3A_374 : vector<256x1024xf32> to vector<1x256x1024xf32>
        tpu.vector_store %swap3A_379[%swap3A_380, %swap3A_381, %swap3A_382], %swap3A_385 {strides = array<i32>} : memref<1x256x1024xf32, #tpu.memory_space<vmem>>, vector<1x256x1024xf32>,
        %sub3A_386 = arith.subf %get3A_330, %dot_general3A_358 : vector<256x1024xf32>
        %broadcast_in_dim3A_387 = arith.constant 1.000000e+00 : f32
        %broadcast_in_dim3A_388 = vector.broadcast %broadcast_in_dim3A_387 : f32 to vector<1x256xf32>
        %get3A_389 = arith.constant 0 : index
        %get3A_390 = arith.constant 0 : index
        %get3A_391 = vector.load %arg6[%get3A_389, %get3A_390] : memref<1x1024xf32, #tpu.memory_space<vmem>>, vector<1x1024xf32>
        %dot_general3A_392 = arith.constant dense<0.000000e+00> : vector<1x1024xf32>
        %dot_general3A_393 = tpu.matmul %broadcast_in_dim3A_388, %sub3A_386, %dot_general3A_392 {dimension_numbers = #tpu.dot_dimension_numbers<[1], [0], [0], [1], [0, 0, 1, 1], [], []>, transpose_lhs_hint = false} : vector<1x256xf32>, vector<256x1024xf32>, vector<1x1024xf32> -> vector<1x1024xf32>
        %add3A_394 = arith.addf %get3A_391, %dot_general3A_393 : vector<1x1024xf32>
        %swap3A_395 = arith.constant 0 : index
        %swap3A_396 = arith.constant 0 : index
        %swap3A_397 = vector.load %arg6[%swap3A_395, %swap3A_396] : memref<1x1024xf32, #tpu.memory_space<vmem>>, vector<1x1024xf32>
        tpu.vector_store %arg6[%swap3A_395, %swap3A_396], %add3A_394 {strides = array<i32>} : memref<1x1024xf32, #tpu.memory_space<vmem>>, vector<1x1024xf32>,
        %get3A_398 = arith.constant 0 : index
        %get3A_399 = arith.constant 0 : index
        %get3A_400 = vector.load %arg7[%get3A_398, %get3A_399] : memref<1x1024xf32, #tpu.memory_space<vmem>>, vector<1x1024xf32>
        %mul3A_401 = arith.mulf %sub3A_386, %sub3A_386 : vector<256x1024xf32>
        %dot_general3A_402 = arith.constant dense<0.000000e+00> : vector<1x1024xf32>
        %dot_general3A_403 = tpu.matmul %broadcast_in_dim3A_388, %mul3A_401, %dot_general3A_402 {dimension_numbers = #tpu.dot_dimension_numbers<[1], [0], [0], [1], [0, 0, 1, 1], [], []>, transpose_lhs_hint = false} : vector<1x256xf32>, vector<256x1024xf32>, vector<1x1024xf32> -> vector<1x1024xf32>
        %add3A_404 = arith.addf %get3A_400, %dot_general3A_403 : vector<1x1024xf32>
        %swap3A_405 = arith.constant 0 : index
        %swap3A_406 = arith.constant 0 : index
        %swap3A_407 = vector.load %arg7[%swap3A_405, %swap3A_406] : memref<1x1024xf32, #tpu.memory_space<vmem>>, vector<1x1024xf32>
        tpu.vector_store %arg7[%swap3A_405, %swap3A_406], %add3A_404 {strides = array<i32>} : memref<1x1024xf32, #tpu.memory_space<vmem>>, vector<1x1024xf32>,
        %broadcast_in_dim3A_408 = arith.constant 1.000000e+00 : f32
        %broadcast_in_dim3A_409 = vector.broadcast %broadcast_in_dim3A_408 : f32 to vector<1024x1xf32>
        %get3A_410 = arith.constant 0 : index
        %get3A_411 = arith.constant 0 : index
        %get3A_412 = vector.load %arg8[%get3A_410, %get3A_411] : memref<1024x1xf32, #tpu.memory_space<vmem>>, vector<1024x1xf32>
        %dot_general3A_413 = arith.constant dense<0.000000e+00> : vector<1024x1xf32>
        %dot_general3A_414 = tpu.matmul %convert_element_type3A_356, %broadcast_in_dim3A_409, %dot_general3A_413 {dimension_numbers = #tpu.dot_dimension_numbers<[1], [0], [0], [1], [0, 0, 1, 1], [], []>, transpose_lhs_hint = false} : vector<1024x1024xf32>, vector<1024x1xf32>, vector<1024x1xf32> -> vector<1024x1xf32>
        %add3A_415 = arith.addf %get3A_412, %dot_general3A_414 : vector<1024x1xf32>
        %swap3A_416 = arith.constant 0 : index
        %swap3A_417 = arith.constant 0 : index
        %swap3A_418 = vector.load %arg8[%swap3A_416, %swap3A_417] : memref<1024x1xf32, #tpu.memory_space<vmem>>, vector<1024x1xf32>
        tpu.vector_store %arg8[%swap3A_416, %swap3A_417], %add3A_415 {strides = array<i32>} : memref<1024x1xf32, #tpu.memory_space<vmem>>, vector<1024x1xf32>,
        "tpu.trace_stop"() : () -> ()
        %ne3A_419 = arith.cmpi ne, %add3A_216, %add3A_236 : i32
        %or3A_420 = arith.constant false
        %or3A_421 = arith.ori %or3A_420, %ne3A_419 : i1
        %or3A_422 = arith.constant false
        %or3A_423 = arith.ori %or3A_421, %or3A_422 : i1
        %or3A_424 = arith.constant false
        %or3A_425 = arith.ori %or3A_423, %or3A_424 : i1
        %or3A_426 = arith.ori %or3A_425, %eq3A_214 : i1
        %convert_element_type3A_427 = arith.extui %or3A_426 : i1 to i32
        %cond3A_428 = arith.constant 0 : i32
        %cond3A_429 = arith.cmpi ne, %convert_element_type3A_427, %cond3A_428 : i32
        scf.if %cond3A_429 {
        } else {
        }
        %and3A_430 = arith.constant false
        %and3A_431 = arith.andi %or3A_426, %and3A_430 : i1
        %ne3A_432 = arith.cmpi ne, %add3A_216, %add3A_236 : i32
        %or3A_433 = arith.constant false
        %or3A_434 = arith.ori %or3A_433, %ne3A_432 : i1
        %or3A_435 = arith.constant false
        %or3A_436 = arith.ori %or3A_434, %or3A_435 : i1
        %or3A_437 = arith.constant false
        %or3A_438 = arith.ori %or3A_436, %or3A_437 : i1
        %or3A_439 = arith.ori %or3A_438, %eq3A_214 : i1
        %convert_element_type3A_440 = arith.extui %or3A_439 : i1 to i32
        %cond3A_441 = arith.constant 0 : i32
        %cond3A_442 = arith.cmpi ne, %convert_element_type3A_440, %cond3A_441 : i32
        scf.if %cond3A_442 {
          "tpu.trace_start"() <{level = 10 : i32, message = "ep_copy_out"}> : () -> ()
          %rem3A_530 = arith.constant 2 : i32
          %rem3A_531 = arith.remui %scan3A_206, %rem3A_530 : i32
          %mul3A_532 = arith.constant 1 : i32
          %mul3A_533 = arith.muli %mul3A_532, %add3A_216 : i32
          %dma_start3A_534 = tpu.memref_slice %run_scoped3A_77[%rem3A_531] : memref<2x!tpu.dma_semaphore, #tpu.memory_space<semaphore_mem>> -> memref<1x!tpu.dma_semaphore, #tpu.memory_space<semaphore_mem>>
          %dma_start3A_535 = tpu.memref_squeeze %dma_start3A_534 : memref<1x!tpu.dma_semaphore, #tpu.memory_space<semaphore_mem>> -> memref<!tpu.dma_semaphore, #tpu.memory_space<semaphore_mem>>
          %dma_start3A_536 = arith.constant 0 : i32
          %dma_start3A_537 = arith.constant 0 : i32
          %dma_start3A_538 = tpu.memref_slice %arg2[%mul3A_533, %dma_start3A_536, %dma_start3A_537] : memref<8x256x1024xf32, #tpu.memory_space<hbm>> -> memref<1x256x1024xf32, #tpu.memory_space<hbm>>
          %dma_start3A_539 = arith.constant 0 : i32
          %dma_start3A_540 = arith.constant 0 : i32
          %dma_start3A_541 = arith.constant 0 : i32
          %dma_start3A_542 = tpu.memref_slice %run_scoped3A_76[%rem3A_531, %dma_start3A_539, %dma_start3A_540, %dma_start3A_541] : memref<2x1x256x1024xf32, #tpu.memory_space<vmem>> -> memref<1x1x256x1024xf32, #tpu.memory_space<vmem>>
          %dma_start3A_543 = tpu.memref_squeeze %dma_start3A_542 : memref<1x1x256x1024xf32, #tpu.memory_space<vmem>> -> memref<1x256x1024xf32, #tpu.memory_space<vmem>>
          tpu.enqueue_dma source(%dma_start3A_543 : memref<1x256x1024xf32, #tpu.memory_space<vmem>>) target(%dma_start3A_538 : memref<1x256x1024xf32, #tpu.memory_space<hbm>>) target_semaphore(%dma_start3A_535 : memref<!tpu.dma_semaphore, #tpu.memory_space<semaphore_mem>>)
          "tpu.trace_stop"() : () -> ()
        } else {
        }
        %and3A_443 = arith.constant true
        %and3A_444 = arith.andi %or3A_439, %and3A_443 : i1
        %add3A_445 = arith.constant 1 : i32
        %add3A_446 = arith.addi %scan3A_206, %add3A_445 : i32
        %select_n3A_447 = arith.select %and3A_444, %add3A_446, %scan3A_206 : i32
        %ne3A_448 = arith.cmpi ne, %add3A_216, %add3A_236 : i32
        %or3A_449 = arith.constant false
        %or3A_450 = arith.ori %or3A_449, %ne3A_448 : i1
        %or3A_451 = arith.constant false
        %or3A_452 = arith.ori %or3A_450, %or3A_451 : i1
        %or3A_453 = arith.ori %or3A_452, %eq3A_214 : i1
        %convert_element_type3A_454 = arith.extui %or3A_453 : i1 to i32
        %cond3A_455 = arith.constant 0 : i32
        %cond3A_456 = arith.cmpi ne, %convert_element_type3A_454, %cond3A_455 : i32
        scf.if %cond3A_456 {
          "tpu.trace_start"() <{level = 10 : i32, message = "ep_copy_out"}> : () -> ()
          %rem3A_530 = arith.constant 2 : i32
          %rem3A_531 = arith.remui %scan3A_208, %rem3A_530 : i32
          %mul3A_532 = arith.constant 1024 : i32
          %mul3A_533 = arith.muli %mul3A_532, %add3A_216 : i32
          %dma_start3A_534 = tpu.memref_slice %run_scoped3A_79[%rem3A_531] : memref<2x!tpu.dma_semaphore, #tpu.memory_space<semaphore_mem>> -> memref<1x!tpu.dma_semaphore, #tpu.memory_space<semaphore_mem>>
          %dma_start3A_535 = tpu.memref_squeeze %dma_start3A_534 : memref<1x!tpu.dma_semaphore, #tpu.memory_space<semaphore_mem>> -> memref<!tpu.dma_semaphore, #tpu.memory_space<semaphore_mem>>
          %dma_start3A_536 = arith.constant 0 : i32
          %dma_start3A_537 = tpu.memref_slice %arg3[%mul3A_533, %dma_start3A_536] : memref<8192x1xi32, #tpu.memory_space<hbm>> -> memref<1024x1xi32, #tpu.memory_space<hbm>>
          %dma_start3A_538 = arith.constant 0 : i32
          %dma_start3A_539 = arith.constant 0 : i32
          %dma_start3A_540 = tpu.memref_slice %run_scoped3A_78[%rem3A_531, %dma_start3A_538, %dma_start3A_539] : memref<2x1024x1xi32, #tpu.memory_space<vmem>> -> memref<1x1024x1xi32, #tpu.memory_space<vmem>>
          %dma_start3A_541 = tpu.memref_squeeze %dma_start3A_540 : memref<1x1024x1xi32, #tpu.memory_space<vmem>> -> memref<1024x1xi32, #tpu.memory_space<vmem>>
          tpu.enqueue_dma source(%dma_start3A_541 : memref<1024x1xi32, #tpu.memory_space<vmem>>) target(%dma_start3A_537 : memref<1024x1xi32, #tpu.memory_space<hbm>>) target_semaphore(%dma_start3A_535 : memref<!tpu.dma_semaphore, #tpu.memory_space<semaphore_mem>>)
          "tpu.trace_stop"() : () -> ()
        } else {
        }
        %and3A_457 = arith.constant true
        %and3A_458 = arith.andi %or3A_453, %and3A_457 : i1
        %add3A_459 = arith.constant 1 : i32
        %add3A_460 = arith.addi %scan3A_208, %add3A_459 : i32
        %select_n3A_461 = arith.select %and3A_458, %add3A_460, %scan3A_208 : i32
        %ne3A_462 = arith.cmpi ne, %add3A_216, %add3A_226 : i32
        %or3A_463 = arith.constant false
        %or3A_464 = arith.ori %or3A_463, %ne3A_462 : i1
        %or3A_465 = arith.constant false
        %or3A_466 = arith.ori %or3A_464, %or3A_465 : i1
        %or3A_467 = arith.constant false
        %or3A_468 = arith.ori %or3A_466, %or3A_467 : i1
        %not3A_469 = arith.constant true
        %not3A_470 = arith.xori %eq3A_212, %not3A_469 : i1
        %and3A_471 = arith.andi %or3A_468, %not3A_470 : i1
        %convert_element_type3A_472 = arith.extui %and3A_471 : i1 to i32
        %cond3A_473 = arith.constant 0 : i32
        %cond3A_474 = arith.cmpi ne, %convert_element_type3A_472, %cond3A_473 : i32
        scf.if %cond3A_474 {
        } else {
        }
        %and3A_475 = arith.constant false
        %and3A_476 = arith.andi %and3A_471, %and3A_475 : i1
        %ne3A_477 = arith.cmpi ne, %add3A_216, %add3A_226 : i32
        %or3A_478 = arith.constant false
        %or3A_479 = arith.ori %or3A_478, %ne3A_477 : i1
        %or3A_480 = arith.constant false
        %or3A_481 = arith.ori %or3A_479, %or3A_480 : i1
        %or3A_482 = arith.constant false
        %or3A_483 = arith.ori %or3A_481, %or3A_482 : i1
        %not3A_484 = arith.constant true
        %not3A_485 = arith.xori %eq3A_212, %not3A_484 : i1
        %and3A_486 = arith.andi %or3A_483, %not3A_485 : i1
        %convert_element_type3A_487 = arith.extui %and3A_486 : i1 to i32
        %cond3A_488 = arith.constant 0 : i32
        %cond3A_489 = arith.cmpi ne, %convert_element_type3A_487, %cond3A_488 : i32
        scf.if %cond3A_489 {
          "tpu.trace_start"() <{level = 10 : i32, message = "ep_wait_out"}> : () -> ()
          %rem3A_530 = arith.constant 2 : i32
          %rem3A_531 = arith.remui %scan3A_207, %rem3A_530 : i32
          %mul3A_532 = arith.constant 1 : i32
          %mul3A_533 = arith.muli %mul3A_532, %add3A_226 : i32
          %dma_wait3A_534 = tpu.memref_slice %run_scoped3A_77[%rem3A_531] : memref<2x!tpu.dma_semaphore, #tpu.memory_space<semaphore_mem>> -> memref<1x!tpu.dma_semaphore, #tpu.memory_space<semaphore_mem>>
          %dma_wait3A_535 = tpu.memref_squeeze %dma_wait3A_534 : memref<1x!tpu.dma_semaphore, #tpu.memory_space<semaphore_mem>> -> memref<!tpu.dma_semaphore, #tpu.memory_space<semaphore_mem>>
          %dma_wait3A_536 = arith.constant 0 : i32
          %dma_wait3A_537 = arith.constant 0 : i32
          %dma_wait3A_538 = tpu.memref_slice %arg2[%mul3A_533, %dma_wait3A_536, %dma_wait3A_537] : memref<8x256x1024xf32, #tpu.memory_space<hbm>> -> memref<1x256x1024xf32, #tpu.memory_space<hbm>>
          %dma_wait3A_539 = arith.constant 0 : i32
          %dma_wait3A_540 = arith.constant 0 : i32
          %dma_wait3A_541 = arith.constant 0 : i32
          %dma_wait3A_542 = tpu.memref_slice %run_scoped3A_76[%rem3A_531, %dma_wait3A_539, %dma_wait3A_540, %dma_wait3A_541] : memref<2x1x256x1024xf32, #tpu.memory_space<vmem>> -> memref<1x1x256x1024xf32, #tpu.memory_space<vmem>>
          %dma_wait3A_543 = tpu.memref_squeeze %dma_wait3A_542 : memref<1x1x256x1024xf32, #tpu.memory_space<vmem>> -> memref<1x256x1024xf32, #tpu.memory_space<vmem>>
          tpu.wait_dma2 semaphore(%dma_wait3A_535 : memref<!tpu.dma_semaphore, #tpu.memory_space<semaphore_mem>>) src(%dma_wait3A_543 : memref<1x256x1024xf32, #tpu.memory_space<vmem>>) dst(%dma_wait3A_538 : memref<1x256x1024xf32, #tpu.memory_space<hbm>>)
          "tpu.trace_stop"() : () -> ()
        } else {
        }
        %and3A_490 = arith.constant true
        %and3A_491 = arith.andi %and3A_486, %and3A_490 : i1
        %add3A_492 = arith.constant 1 : i32
        %add3A_493 = arith.addi %scan3A_207, %add3A_492 : i32
        %select_n3A_494 = arith.select %and3A_491, %add3A_493, %scan3A_207 : i32
        %ne3A_495 = arith.cmpi ne, %add3A_216, %add3A_226 : i32
        %or3A_496 = arith.constant false
        %or3A_497 = arith.ori %or3A_496, %ne3A_495 : i1
        %or3A_498 = arith.constant false
        %or3A_499 = arith.ori %or3A_497, %or3A_498 : i1
        %not3A_500 = arith.constant true
        %not3A_501 = arith.xori %eq3A_212, %not3A_500 : i1
        %and3A_502 = arith.andi %or3A_499, %not3A_501 : i1
        %convert_element_type3A_503 = arith.extui %and3A_502 : i1 to i32
        %cond3A_504 = arith.constant 0 : i32
        %cond3A_505 = arith.cmpi ne, %convert_element_type3A_503, %cond3A_504 : i32
        scf.if %cond3A_505 {
          "tpu.trace_start"() <{level = 10 : i32, message = "ep_wait_out"}> : () -> ()
          %rem3A_530 = arith.constant 2 : i32
          %rem3A_531 = arith.remui %scan3A_209, %rem3A_530 : i32
          %mul3A_532 = arith.constant 1024 : i32
          %mul3A_533 = arith.muli %mul3A_532, %add3A_226 : i32
          %dma_wait3A_534 = tpu.memref_slice %run_scoped3A_79[%rem3A_531] : memref<2x!tpu.dma_semaphore, #tpu.memory_space<semaphore_mem>> -> memref<1x!tpu.dma_semaphore, #tpu.memory_space<semaphore_mem>>
          %dma_wait3A_535 = tpu.memref_squeeze %dma_wait3A_534 : memref<1x!tpu.dma_semaphore, #tpu.memory_space<semaphore_mem>> -> memref<!tpu.dma_semaphore, #tpu.memory_space<semaphore_mem>>
          %dma_wait3A_536 = arith.constant 0 : i32
          %dma_wait3A_537 = tpu.memref_slice %arg3[%mul3A_533, %dma_wait3A_536] : memref<8192x1xi32, #tpu.memory_space<hbm>> -> memref<1024x1xi32, #tpu.memory_space<hbm>>
          %dma_wait3A_538 = arith.constant 0 : i32
          %dma_wait3A_539 = arith.constant 0 : i32
          %dma_wait3A_540 = tpu.memref_slice %run_scoped3A_78[%rem3A_531, %dma_wait3A_538, %dma_wait3A_539] : memref<2x1024x1xi32, #tpu.memory_space<vmem>> -> memref<1x1024x1xi32, #tpu.memory_space<vmem>>
          %dma_wait3A_541 = tpu.memref_squeeze %dma_wait3A_540 : memref<1x1024x1xi32, #tpu.memory_space<vmem>> -> memref<1024x1xi32, #tpu.memory_space<vmem>>
          tpu.wait_dma2 semaphore(%dma_wait3A_535 : memref<!tpu.dma_semaphore, #tpu.memory_space<semaphore_mem>>) src(%dma_wait3A_541 : memref<1024x1xi32, #tpu.memory_space<vmem>>) dst(%dma_wait3A_537 : memref<1024x1xi32, #tpu.memory_space<hbm>>)
          "tpu.trace_stop"() : () -> ()
        } else {
        }
        %and3A_506 = arith.constant true
        %and3A_507 = arith.andi %and3A_502, %and3A_506 : i1
        %add3A_508 = arith.constant 1 : i32
        %add3A_509 = arith.addi %scan3A_209, %add3A_508 : i32
        %select_n3A_510 = arith.select %and3A_507, %add3A_509, %scan3A_209 : i32
        %ne3A_511 = arith.cmpi ne, %add3A_216, %add3A_236 : i32
        %or3A_512 = arith.constant false
        %or3A_513 = arith.ori %or3A_512, %ne3A_511 : i1
        %or3A_514 = arith.constant false
        %or3A_515 = arith.ori %or3A_513, %or3A_514 : i1
        %or3A_516 = arith.constant false
        %or3A_517 = arith.ori %or3A_515, %or3A_516 : i1
        %or3A_518 = arith.ori %or3A_517, %eq3A_214 : i1
        %add3A_519 = arith.constant 1 : i32
        %add3A_520 = arith.addi %scan3A_205, %add3A_519 : i32
        %select_n3A_521 = arith.select %or3A_518, %add3A_520, %scan3A_205 : i32
        %add3A_522 = arith.constant 1 : i32
        %add3A_523 = arith.addi %scan3A_210, %add3A_522 : i32
        %select_n3A_524 = arith.constant true
        %select_n3A_525 = arith.select %select_n3A_524, %add3A_523, %scan3A_210 : i32
        %eq3A_526 = arith.constant 8 : i32
        %eq3A_527 = arith.cmpi eq, %select_n3A_525, %eq3A_526 : i32
        %select_n3A_528 = arith.constant 0 : i32
        %select_n3A_529 = arith.select %eq3A_527, %select_n3A_528, %select_n3A_525 : i32
        scf.yield %select_n3A_261, %select_n3A_521, %select_n3A_447, %select_n3A_494, %select_n3A_461, %select_n3A_510, %select_n3A_529 : i32, i32, i32, i32, i32, i32, i32
      }
      %scan3A_138 = arith.constant 8 : i32
      %sub3A = arith.constant 1 : i32
      %sub3A_139 = arith.subi %scan3A_137#6, %sub3A : i32
      %select_n3A_140 = arith.constant true
      %select_n3A_141 = arith.select %select_n3A_140, %sub3A_139, %scan3A_137#6 : i32
      %eq3A_142 = arith.constant -1 : i32
      %eq3A_143 = arith.cmpi eq, %select_n3A_141, %eq3A_142 : i32
      %select_n3A_144 = arith.constant 7 : i32
      %select_n3A_145 = arith.select %eq3A_143, %select_n3A_144, %select_n3A_141 : i32
      %add3A_146 = arith.constant 0 : i32
      %add3A_147 = arith.addi %select_n3A_145, %add3A_146 : i32
      %sub3A_148 = arith.constant 1 : i32
      %sub3A_149 = arith.subi %select_n3A_145, %sub3A_148 : i32
      %select_n3A_150 = arith.constant true
      %select_n3A_151 = arith.select %select_n3A_150, %sub3A_149, %select_n3A_145 : i32
      %eq3A_152 = arith.constant -1 : i32
      %eq3A_153 = arith.cmpi eq, %select_n3A_151, %eq3A_152 : i32
      %select_n3A_154 = arith.constant 7 : i32
      %select_n3A_155 = arith.select %eq3A_153, %select_n3A_154, %select_n3A_151 : i32
      %add3A_156 = arith.constant 0 : i32
      %add3A_157 = arith.addi %select_n3A_155, %add3A_156 : i32
      %add3A_158 = arith.constant 1 : i32
      %add3A_159 = arith.addi %select_n3A_145, %add3A_158 : i32
      %select_n3A_160 = arith.constant true
      %select_n3A_161 = arith.select %select_n3A_160, %add3A_159, %select_n3A_145 : i32
      %eq3A_162 = arith.constant 8 : i32
      %eq3A_163 = arith.cmpi eq, %select_n3A_161, %eq3A_162 : i32
      %select_n3A_164 = arith.constant 0 : i32
      %select_n3A_165 = arith.select %eq3A_163, %select_n3A_164, %select_n3A_161 : i32
      %add3A_166 = arith.constant 0 : i32
      %add3A_167 = arith.addi %select_n3A_165, %add3A_166 : i32
      %add3A_168 = arith.constant 1 : i32
      %add3A_169 = arith.addi %select_n3A_165, %add3A_168 : i32
      %select_n3A_170 = arith.constant true
      %select_n3A_171 = arith.select %select_n3A_170, %add3A_169, %select_n3A_165 : i32
      %eq3A_172 = arith.constant 8 : i32
      %eq3A_173 = arith.cmpi eq, %select_n3A_171, %eq3A_172 : i32
      %select_n3A_174 = arith.constant 0 : i32
      %select_n3A_175 = arith.select %eq3A_173, %select_n3A_174, %select_n3A_171 : i32
      %add3A_176 = arith.constant 0 : i32
      %add3A_177 = arith.addi %select_n3A_175, %add3A_176 : i32
      "tpu.trace_start"() <{level = 10 : i32, message = "ep_finalize"}> : () -> ()
      %rem3A_178 = arith.constant 2 : i32
      %rem3A_179 = arith.remui %scan3A_137#3, %rem3A_178 : i32
      %mul3A_180 = arith.constant 1 : i32
      %mul3A_181 = arith.muli %mul3A_180, %add3A_147 : i32
      %dma_wait3A = tpu.memref_slice %run_scoped3A_77[%rem3A_179] : memref<2x!tpu.dma_semaphore, #tpu.memory_space<semaphore_mem>> -> memref<1x!tpu.dma_semaphore, #tpu.memory_space<semaphore_mem>>
      %dma_wait3A_182 = tpu.memref_squeeze %dma_wait3A : memref<1x!tpu.dma_semaphore, #tpu.memory_space<semaphore_mem>> -> memref<!tpu.dma_semaphore, #tpu.memory_space<semaphore_mem>>
      %dma_wait3A_183 = arith.constant 0 : i32
      %dma_wait3A_184 = arith.constant 0 : i32
      %dma_wait3A_185 = tpu.memref_slice %arg2[%mul3A_181, %dma_wait3A_183, %dma_wait3A_184] : memref<8x256x1024xf32, #tpu.memory_space<hbm>> -> memref<1x256x1024xf32, #tpu.memory_space<hbm>>
      %dma_wait3A_186 = arith.constant 0 : i32
      %dma_wait3A_187 = arith.constant 0 : i32
      %dma_wait3A_188 = arith.constant 0 : i32
      %dma_wait3A_189 = tpu.memref_slice %run_scoped3A_76[%rem3A_179, %dma_wait3A_186, %dma_wait3A_187, %dma_wait3A_188] : memref<2x1x256x1024xf32, #tpu.memory_space<vmem>> -> memref<1x1x256x1024xf32, #tpu.memory_space<vmem>>
      %dma_wait3A_190 = tpu.memref_squeeze %dma_wait3A_189 : memref<1x1x256x1024xf32, #tpu.memory_space<vmem>> -> memref<1x256x1024xf32, #tpu.memory_space<vmem>>
      tpu.wait_dma2 semaphore(%dma_wait3A_182 : memref<!tpu.dma_semaphore, #tpu.memory_space<semaphore_mem>>) src(%dma_wait3A_190 : memref<1x256x1024xf32, #tpu.memory_space<vmem>>) dst(%dma_wait3A_185 : memref<1x256x1024xf32, #tpu.memory_space<hbm>>)
      %rem3A_191 = arith.constant 2 : i32
      %rem3A_192 = arith.remui %scan3A_137#5, %rem3A_191 : i32
      %mul3A_193 = arith.constant 1024 : i32
      %mul3A_194 = arith.muli %mul3A_193, %add3A_147 : i32
      %dma_wait3A_195 = tpu.memref_slice %run_scoped3A_79[%rem3A_192] : memref<2x!tpu.dma_semaphore, #tpu.memory_space<semaphore_mem>> -> memref<1x!tpu.dma_semaphore, #tpu.memory_space<semaphore_mem>>
      %dma_wait3A_196 = tpu.memref_squeeze %dma_wait3A_195 : memref<1x!tpu.dma_semaphore, #tpu.memory_space<semaphore_mem>> -> memref<!tpu.dma_semaphore, #tpu.memory_space<semaphore_mem>>
      %dma_wait3A_197 = arith.constant 0 : i32
      %dma_wait3A_198 = tpu.memref_slice %arg3[%mul3A_194, %dma_wait3A_197] : memref<8192x1xi32, #tpu.memory_space<hbm>> -> memref<1024x1xi32, #tpu.memory_space<hbm>>
      %dma_wait3A_199 = arith.constant 0 : i32
      %dma_wait3A_200 = arith.constant 0 : i32
      %dma_wait3A_201 = tpu.memref_slice %run_scoped3A_78[%rem3A_192, %dma_wait3A_199, %dma_wait3A_200] : memref<2x1024x1xi32, #tpu.memory_space<vmem>> -> memref<1x1024x1xi32, #tpu.memory_space<vmem>>
      %dma_wait3A_202 = tpu.memref_squeeze %dma_wait3A_201 : memref<1x1024x1xi32, #tpu.memory_space<vmem>> -> memref<1024x1xi32, #tpu.memory_space<vmem>>
      tpu.wait_dma2 semaphore(%dma_wait3A_196 : memref<!tpu.dma_semaphore, #tpu.memory_space<semaphore_mem>>) src(%dma_wait3A_202 : memref<1024x1xi32, #tpu.memory_space<vmem>>) dst(%dma_wait3A_198 : memref<1024x1xi32, #tpu.memory_space<hbm>>)
      "tpu.trace_stop"() : () -> ()
      tpu.yield
    }) : () -> ()
    %get3A_24 = arith.constant 0 : index
    %get3A_25 = arith.constant 0 : index
    %get3A_26 = vector.load %arg6[%get3A_24, %get3A_25] : memref<1x1024xf32, #tpu.memory_space<vmem>>, vector<1x1024xf32>
    %reduce_sum3A_27 = vector.shape_cast %get3A_26 : vector<1x1024xf32> to vector<1x1x1024xf32>
    %reduce_sum3A_28 = arith.constant dense<0.000000e+00> : vector<1xf32>
    %reduce_sum3A_29 = vector.multi_reduction <add>, %reduce_sum3A_27, %reduce_sum3A_28 [1, 2] : vector<1x1x1024xf32> to vector<1xf32>
    %reduce_sum3A_30 = vector.shape_cast %reduce_sum3A_29 : vector<1xf32> to vector<1x1x1xf32>
    %reduce_sum3A_31 = vector.extract %reduce_sum3A_30[0, 0, 0] : f32 from vector<1x1x1xf32>
    %broadcast_in_dim3A_32 = vector.broadcast %reduce_sum3A_31 : f32 to vector<1x1xf32>
    %get3A_33 = arith.constant 0 : index
    %get3A_34 = arith.constant 0 : index
    %get3A_35 = vector.load %arg7[%get3A_33, %get3A_34] : memref<1x1024xf32, #tpu.memory_space<vmem>>, vector<1x1024xf32>
    %reduce_sum3A_36 = vector.shape_cast %get3A_35 : vector<1x1024xf32> to vector<1x1x1024xf32>
    %reduce_sum3A_37 = arith.constant dense<0.000000e+00> : vector<1xf32>
    %reduce_sum3A_38 = vector.multi_reduction <add>, %reduce_sum3A_36, %reduce_sum3A_37 [1, 2] : vector<1x1x1024xf32> to vector<1xf32>
    %reduce_sum3A_39 = vector.shape_cast %reduce_sum3A_38 : vector<1xf32> to vector<1x1x1xf32>
    %reduce_sum3A_40 = vector.extract %reduce_sum3A_39[0, 0, 0] : f32 from vector<1x1x1xf32>
    %broadcast_in_dim3A_41 = vector.broadcast %reduce_sum3A_40 : f32 to vector<1x1xf32>
    %mul3A_42 = arith.constant 2.500000e-01 : f32
    %mul3A_43 = vector.broadcast %mul3A_42 : f32 to vector<1x1xf32>
    %mul3A_44 = arith.mulf %mul3A_43, %broadcast_in_dim3A_32 : vector<1x1xf32>
    %mul3A_45 = arith.constant 4.76837158E-7 : f32
    %mul3A_46 = vector.broadcast %mul3A_45 : f32 to vector<1x1xf32>
    %mul3A_47 = arith.mulf %mul3A_44, %mul3A_46 : vector<1x1xf32>
    %mul3A_48 = arith.constant 4.76837158E-7 : f32
    %mul3A_49 = vector.broadcast %mul3A_48 : f32 to vector<1x1xf32>
    %mul3A_50 = arith.mulf %broadcast_in_dim3A_41, %mul3A_49 : vector<1x1xf32>
    %add3A = arith.addf %mul3A_47, %mul3A_50 : vector<1x1xf32>
    %swap3A_51 = arith.constant 0 : index
    %swap3A_52 = arith.constant 0 : index
    %swap3A_53 = vector.load %arg4[%swap3A_51, %swap3A_52] : memref<1x1xf32, #tpu.memory_space<vmem>>, vector<1x1xf32>
    tpu.vector_store %arg4[%swap3A_51, %swap3A_52], %add3A {strides = array<i32>} : memref<1x1xf32, #tpu.memory_space<vmem>>, vector<1x1xf32>,
    %get3A_54 = arith.constant 0 : index
    %get3A_55 = arith.constant 0 : index
    %get3A_56 = vector.load %arg8[%get3A_54, %get3A_55] : memref<1024x1xf32, #tpu.memory_space<vmem>>, vector<1024x1xf32>
    %mul3A_57 = arith.constant 1.22070313E-4 : f32
    %mul3A_58 = vector.broadcast %mul3A_57 : f32 to vector<1024x1xf32>
    %mul3A_59 = arith.mulf %get3A_56, %mul3A_58 : vector<1024x1xf32>
    %add3A_60 = arith.constant 1.000000e-10 : f32
    %add3A_61 = vector.broadcast %add3A_60 : f32 to vector<1024x1xf32>
    %add3A_62 = arith.addf %mul3A_59, %add3A_61 : vector<1024x1xf32>
    %log3A = math.log %add3A_62 : vector<1024x1xf32>
    %mul3A_63 = arith.mulf %mul3A_59, %log3A : vector<1024x1xf32>
    %reduce_sum3A_64 = vector.shape_cast %mul3A_63 : vector<1024x1xf32> to vector<1x1024x1xf32>
    %reduce_sum3A_65 = arith.constant dense<0.000000e+00> : vector<1xf32>
    %reduce_sum3A_66 = vector.multi_reduction <add>, %reduce_sum3A_64, %reduce_sum3A_65 [1, 2] : vector<1x1024x1xf32> to vector<1xf32>
    %reduce_sum3A_67 = vector.shape_cast %reduce_sum3A_66 : vector<1xf32> to vector<1x1x1xf32>
    %reduce_sum3A_68 = vector.extract %reduce_sum3A_67[0, 0, 0] : f32 from vector<1x1x1xf32>
    %broadcast_in_dim3A_69 = vector.broadcast %reduce_sum3A_68 : f32 to vector<1x1xf32>
    %neg3A = arith.constant 0.000000e+00 : f32
    %neg3A_70 = vector.broadcast %neg3A : f32 to vector<1x1xf32>
    %neg3A_71 = arith.subf %neg3A_70, %broadcast_in_dim3A_69 : vector<1x1xf32>
    %exp3A = math.exp %neg3A_71 : vector<1x1xf32>
    %swap3A_72 = arith.constant 0 : index
    %swap3A_73 = arith.constant 0 : index
    %swap3A_74 = vector.load %arg5[%swap3A_72, %swap3A_73] : memref<1x1xf32, #tpu.memory_space<vmem>>, vector<1x1xf32>
    tpu.vector_store %arg5[%swap3A_72, %swap3A_73], %exp3A {strides = array<i32>} : memref<1x1xf32, #tpu.memory_space<vmem>>, vector<1x1xf32>,
    return
  }
}

</mosaic_0001>

<sc_bundles>
// kernel: kernel.4.cloned.1.call-start
scs
__scs_entry_jumppad:
0x0: {  	(pc) =	sbr.rel $0x88, $3  }
0x1: {  	(tag) =	ssettag $0x0;
	lr =	simm.s32 $0x1  }
0x2: {  	[smem:$0x3F9F] =	sst lr;
	_ =	strace $0xD0000000  }
0x3: {  	_ = 	snop  }
0x4: {  	_ = 	snop  }
0x5: {  	_ = 	snop  }
0x6: {  	_ = 	snop  }
0x7: {  	_ = 	snop  }
__scs_overlays_trampoline_lowered:
0x8: {  	[smem:$0x3FAE] =	sst s0  }
0x9: {  	[smem:$0x3FAF] =	sst s1  }
0xa: {  	[smem:$0x3FB0] =	sst s2  }
0xb: {  	[smem:$0x3FB1] =	sst s3  }
0xc: {  	[smem:$0x3FB2] =	sst s4  }
0xd: {  	[smem:$0x3FB3] =	sst s5  }
0xe: {  	[smem:$0x3FB4] =	sst s6  }
0xf: {  	[smem:$0x3FB5] =	sst s7  }
0x10: {  	[smem:$0x3FB6] =	sst s8  }
0x11: {  	[smem:$0x3FB7] =	sst s9;
	s0 =	simm.s32 @!p0 $0x0  }
0x12: {  	s1 =	sld [smem:$0x3F9D];
	s0 =	simm.s32 @p0 $0x1  }
0x13: {  	[smem:$0x3FB8] =	sst s0;
	s0 =	simm.s32 @!p1 $0x0  }
0x14: {  	s2 =	sld [smem:$0x3F9C];
	s0 =	simm.s32 @p1 $0x1  }
0x15: {  	[smem:$0x3FB9] =	sst s0;
	s0 =	simm.s32 @!p2 $0x0  }
0x16: {  	s3 =	sld [smem:$0x3FDB];
	s0 =	simm.s32 @p2 $0x1  }
0x17: {  	s4 =	simm.s32 $0x1BF5;
	[smem:$0x3FBB] =	sst s0  }
0x18: {  	s0 =	sld [smem:$0x3F9E];
	_ =	swait.ge [sflag:s4], $0x0  }
0x19: {  	s7 =	sld [smem:$0x3F9F]  }
0x1a: {  	s8 =	sadd.s32 $0xFFFFE003, lr  }
0x1b: {  	s9 =	sadd.s32 $0xFFFFFEF7, lr;
	s5 =	simm.s32 $0xFFFFFFFF;
	p2 =	slt.u32 s8, $0xFFFFF086  }
0x1c: {  	p1 =	slt.u32 s9, $0xF7A;
	s5 =	simm.s32 @!p2 $0x0  }
0x1d: {  	s5 =	simm.s32 @p1 $0x1;
	p0 =	seq.s32 s7, s2  }
0x1e: {  	s7 =	smul.u32 @!p0 $0xF7A, s2;
	p2 =	seq.s32 @!p0 s5, $0x0  }
0x1f: {  	s9 =	smul.u32 $0xF7A, s1;
	s8 =	simm.s32 @!p0 $0x1BF5;
	p2 =	por !p2, p0  }
0x20: {  	[sflag:s8] =	ssyncset.s32 @!p0 $0xFFFFF086;
	s6 =	sadd.s32 @!p0 s3, s7;
	s7 =	simm.s32 @!p0 $0x108  }
0x21: {  	s3 =	sadd.s32 s3, s9;
	s6 =	sadd.s32 @!p0 $0x88, s6;
	s7 =	simm.s32 @p2 $0x1082  }
0x22: {  	[simem:s7], [sflag:s8] =	dma.local @!p0 [hbm:s6], $0xF7A  }
0x23: {  	s9 =	sor.u32 $0xD0000000, s2;
	s6 =	simm.s32 $0x108;
	_ =	swait.ge @!p0 [sflag:s8], $0x0  }
0x24: {  	s3 =	sadd.s32 $0x88, s3;
	s6 =	simm.s32 @!p1 $0x1082;
	[sflag:s4] =	ssyncset.s32 $0xFFFFF086  }
0x25: {  	[simem:s6], [sflag:s4] =	dma.local [hbm:s3], $0xF7A  }
0x26: {  	[smem:$0x3F9F] =	sst s1;
	(tag) =	ssettag s2;
	_ =	strace s9  }
0x27: {  	s1 =	sld [smem:$0x3FAF]  }
0x28: {  	s2 =	sld [smem:$0x3FB0]  }
0x29: {  	s4 =	sld [smem:$0x3FB2]  }
0x2a: {  	p0 =	seq.s32 s5, $0x0;
	s5 =	sld [smem:$0x3FB3]  }
0x2b: {  	s6 =	sld [smem:$0x3FB4]  }
0x2c: {  	s7 =	sld [smem:$0x3FB5]  }
0x2d: {  	s3 =	simm.s32 $0x108;
	s8 =	sld [smem:$0x3FB6]  }
0x2e: {  	s3 =	simm.s32 @!p0 $0x1082;
	s9 =	sld [smem:$0x3FB7]  }
0x2f: {  	lr =	sadd.s32 s0, s3;
	s0 =	sld [smem:$0x3FAE]  }
0x30: {  	s3 =	sld [smem:$0x3FB1]  }
0x31: {  	[smem:$0x3FBA] =	sst s10  }
0x32: {  	s10 =	sld [smem:$0x3FB8];
	_ =	sdelay $0x3  }
0x33: {  	p0 =	seq.s32 s10, $0x1;
	s10 =	sld [smem:$0x3FBA];
	_ =	sdelay $0x3  }
0x34: {  	[smem:$0x3FBA] =	sst s10  }
0x35: {  	s10 =	sld [smem:$0x3FB9];
	_ =	sdelay $0x3  }
0x36: {  	p1 =	seq.s32 s10, $0x1;
	s10 =	sld [smem:$0x3FBA];
	_ =	sdelay $0x3  }
0x37: {  	[smem:$0x3FBA] =	sst s10  }
0x38: {  	s10 =	sld [smem:$0x3FBB]  }
0x39: {  	_ = 	snop;
	(pc) =	sbr.ind lr, $3  }
0x3a: {  	_ = 	snop  }
0x3b: {  	_ = 	snop  }
0x3c: {  	p2 =	seq.s32 s10, $0x1;
	s10 =	sld [smem:$0x3FBA]  }
0x3d: {  	_ =	shalt  }
0x3e: {  	_ =	shalt  }
0x3f: {  	_ =	shalt  }
0x40: {  	_ =	shalt  }
0x41: {  	_ =	shalt  }
0x42: {  	_ =	shalt  }
0x43: {  	_ =	shalt  }
0x44: {  	_ =	shalt  }
0x45: {  	_ =	shalt  }
0x46: {  	_ =	shalt  }
0x47: {  	_ =	shalt  }
0x48: {  	_ =	shalt  }
0x49: {  	_ =	shalt  }
0x4a: {  	_ =	shalt  }
0x4b: {  	_ =	shalt  }
0x4c: {  	_ =	shalt  }
0x4d: {  	_ =	shalt  }
0x4e: {  	_ =	shalt  }
0x4f: {  	_ =	shalt  }
0x50: {  	_ =	shalt  }
0x51: {  	_ =	shalt  }
0x52: {  	_ =	shalt  }
0x53: {  	_ =	shalt  }
0x54: {  	_ =	shalt  }
0x55: {  	_ =	shalt  }
0x56: {  	_ =	shalt  }
0x57: {  	_ =	shalt  }
0x58: {  	_ =	shalt  }
0x59: {  	_ =	shalt  }
0x5a: {  	_ =	shalt  }
0x5b: {  	_ =	shalt  }
0x5c: {  	_ =	shalt  }
0x5d: {  	_ =	shalt  }
0x5e: {  	_ =	shalt  }
0x5f: {  	_ =	shalt  }
0x60: {  	_ =	shalt  }
0x61: {  	_ =	shalt  }
0x62: {  	_ =	shalt  }
0x63: {  	_ =	shalt  }
0x64: {  	_ =	shalt  }
0x65: {  	_ =	shalt  }
0x66: {  	_ =	shalt  }
0x67: {  	_ =	shalt  }
0x68: {  	_ =	shalt  }
0x69: {  	_ =	shalt  }
0x6a: {  	_ =	shalt  }
0x6b: {  	_ =	shalt  }
0x6c: {  	_ =	shalt  }
0x6d: {  	_ =	shalt  }
0x6e: {  	_ =	shalt  }
0x6f: {  	_ =	shalt  }
0x70: {  	_ =	shalt  }
0x71: {  	_ =	shalt  }
0x72: {  	_ =	shalt  }
0x73: {  	_ =	shalt  }
0x74: {  	_ =	shalt  }
0x75: {  	_ =	shalt  }
0x76: {  	_ =	shalt  }
0x77: {  	_ =	shalt  }
0x78: {  	_ =	shalt  }
0x79: {  	_ =	shalt  }
0x7a: {  	_ =	shalt  }
0x7b: {  	_ =	shalt  }
0x7c: {  	_ =	shalt  }
0x7d: {  	_ =	shalt  }
0x7e: {  	_ =	shalt  }
0x7f: {  	_ =	shalt  }
0x80: {  	_ =	shalt  }
0x81: {  	_ =	shalt  }
0x82: {  	_ =	shalt  }
0x83: {  	_ =	shalt  }
0x84: {  	_ =	shalt  }
0x85: {  	_ =	shalt  }
0x86: {  	_ =	shalt  }
0x87: {  	_ =	shalt  }
.Lfunc_end0:
.L_simem_size_0:
called_computation_lowered:
.L_overlay_start_0:
0x88: {  	s2 =	sld [smem:$0x3FD9]  }
0x89: {  	s3 =	sld [smem:$0x3FFE];
	_ =	sdelay $0x1  }
0x8a: {  	s1 =	srdreg.scid  }
0x8b: {  	s0 =	sand.u32 $0x1, s1  }
0x8c: {  	s14 =	sshll.u32 s0, $0xA;
	s2 =	sadd.s32 s3, s2  }
0x8d: {  	s2 =	sadd.s32 s2, s14  }
0x8e: {  	[smem:$0x3FC6] =	sst s2  }
0x8f: {  	_ = 	snop  }
0x90: {  	s2 =	sld [smem:$0x3FD0];
	_ =	sdelay $0x2  }
0x91: {  	s15 =	simm.s32 $0xA;
	s4 =	simm.s32 $0x10  }
0x92: {  	[smem:s4], [sflag:s15] =	dma.local [hbm:s2], $0x1  }
0x93: {  	_ =	swait.eq [sflag:s15], $0x1  }
0x94: {  	[sflag:s15] =	ssyncset.done $0x0  }
0x95: {  	[sflag:s15] =	ssyncadd.s32 $0xFFFFFFFF  }
0x96: {  	s16 =	sld [smem:$0x13];
	(tm) =	ssettm $0x1  }
0x97: {  	s17 =	sld [smem:$0x3FFB];
	_ =	sdelay $0x3  }
0x98: {  	_ =	strace s17  }
0x99: {  	s3 =	sld [smem:$0x3FFC];
	_ =	sdelay $0x3  }
0x9a: {  	_ =	strace s3  }
0x9b: {  	s3 =	sld [smem:$0x3FFD];
	_ =	sdelay $0x3  }
0x9c: {  	_ =	strace s3  }
0x9d: {  	_ =	strace $0x8FFFFFFF  }
0x9e: {  	s18 =	sld [smem:$0x3FDB];
	_ =	sdelay $0x1  }
0x9f: {  	s19 =	simm.s32 $_scs_section_size  }
0xa0: {  	s5 =	simm.s32 $_size__tile_overlayer_lowered;
	s6 =	simm.s32 $_tile_overlayer_lowered  }
0xa1: {  	s22 =	simm.s32 $0x1BFF;
	s21 =	sshll.u32 s6, $0x1;
	s3 =	sadd.s32 s19, s18  }
0xa2: {  	s7 =	simm.s32 $0x0;
	s20 =	sshll.u32 s5, $0x1;
	s5 =	sadd.s32 s21, s3  }
0xa3: {  	[timem:s7], [sflag:s22] =	dma.local [hbm:s5], s20  }
0xa4: {  	_ =	swait.ge [sflag:s22], s20  }
0xa5: {  	s4 =	ssub.s32 $0x0, s20;
	[sflag:s22] =	ssyncset.done $0x0  }
0xa6: {  	[sflag:s22] =	ssyncadd.s32 s4;
	_ =	sdelay $0x1  }
0xa7: {  	s23 =	simm.s32 $0x1B8B  }
0xa8: {  	_ =	swait.ge [sflag:s23], $0x1  }
0xa9: {  	[sflag:s23] =	ssyncset.done $0x0  }
0xaa: {  	s25 =	simm.s32 $0x1B8E;
	s24 =	sld [smem:$0x3FFE];
	[sflag:s23] =	ssyncadd.s32 $0xFFFFFFFF  }
0xab: {  	s26 =	simm.s32 $execute0_lowered;
	[smem:$0x3FD2] =	sst s25  }
0xac: {  	s5 =	sshll.u32 s26, $0x1;
	_ =	strace $0x80000046;
	[dreg:$0x1] =	wrdreg $0xFFFFFFFF  }
0xad: {  	s28 =	simm.s32 $_size_execute0_lowered;
	s3 =	sadd.s32 s3, s5;
	[dreg:$0x0] =	wrdreg $0x0  }
0xae: {  	s5 =	sshll.u32 s28, $0x1;
	[dreg:$0x2] =	wrdreg s3  }
0xaf: {  	[dreg:$0x3] =	wrdreg s5  }
0xb0: {  	[dreg:$0x4] =	wrdreg $0xC0  }
0xb1: {  	_ =	task [dreg:s7], $0x5FFFF  }
0xb2: {  	[dreg:$0x1] =	wrdreg $0xFFFFFFFF  }
0xb3: {  	[dreg:$0x0] =	wrdreg $0x60  }
0xb4: {  	[dreg:$0x2] =	wrdreg s24  }
0xb5: {  	[dreg:$0x3] =	wrdreg s16  }
0xb6: {  	[dreg:$0x4] =	wrdreg $0x9  }
0xb7: {  	_ =	task.clear_ibuf [dreg:s7], $0x5FFFF;
	_ =	strace $0x90000046  }
0xb8: {  	s29 =	simm.s32 $0x9;
	_ =	strace $0x80000048  }
0xb9: {  	_ =	swait.ge [sflag:s29], $0x1  }
0xba: {  	[sflag:s29] =	ssyncadd.s32 $0xFFFFFFFF  }
0xbb: {  	_ =	strace $0x90000048  }
0xbc: {  	_ =	sfence  }
0xbd: {  	s30 =	sld [smem:$0x0];
	_ =	sdelay $0x2  }
0xbe: {  	s31 =	sshll.u32 s1, $0xD;
	s1 =	sshrl.u32 s1, $0x2  }
0xbf: {  	s3 =	sand.u32 $0x4000, s31;
	s1 =	sadd.s32 s1, s30  }
0xc0: {  	s0 =	sor.u32 s3, s0;
	s1 =	sshll.u32 s1, $0x11  }
0xc1: {  	s0 =	sor.u32 s1, s0  }
0xc2: {  	s0 =	sadd.s32 $0x8F2B, s0  }
0xc3: {  	[sflag:s0] =	ssyncadd.remote.s32 $0x1  }
0xc4: {  	_ =	sfence.sel $0xFFFF  }
0xc5: {  	[dreg:$0x0] =	wrdreg $0xFFFFFFFF;
	(pc) =	sbr.abs _section_cstart, $3  }
0xc6: {  	[dreg:$0x1] =	wrdreg $0xFFFFFFFF  }
0xc7: {  	_ =	task.clear_ibuf [dreg:s7], $0x2FFFF;
	_ =	strace $0x9FFFFFFF  }
0xc8: {  	(tm) =	ssettm $0x7FFFFFFF  }
0xc9: {  	_ =	shalt  }
tec
execute0_lowered:
.L_overlay_start_1:
0x0: {  	(tag) =	ssettag $0x1  }
0x1: {  	s0 =	rddreg [dreg:$0x0]  }
0x2: {  	s1 =	rddreg [dreg:$0x1]  }
0x3: {  	s3 =	srdreg.scid;
	s2 =	simm.s32 $0x0;
	s4 =	stileid.u32  }
0x4: {  	s18 =	simm.s32 $0x1;
	s3 =	sand.u32 $0x1, s3;
	[smem:$0x7FF] =	sst s2  }
0x5: {  	s4 =	sshll.u32 s4, $0x9;
	s8 =	sadd.s32 $0x80C00, s0;
	s5 =	sshll.u32 s3, $0x8  }
0x6: {  	_ =	strace $0x80000047;
	s6 =	ssub.s32 $0x2, s3;
	s3 =	sadd.s32 $0xC00, s0  }
0x7: {  	s7 =	sor.u32 s5, s4;
	s21 =	sshrl.u32 s6, $0x1;
	s4 =	sadd.s32 $0xD00, s0  }
0x8: {  	s5 =	sshrl.u32 s7, $0x3;
	s9 =	ssub.s32 s6, s21;
	s23 =	sshll.u32 s7, $0x7  }
0x9: {  	s24 =	sor.u32 $0x40, s7;
	s26 =	sor.u32 $0x80, s7;
	s7 =	sor.u32 $0xC0, s7  }
0xa: {  	s22 =	sadd.s32 s8, s5;
	s5 =	sadd.s32 s1, s23;
	s10 =	sshrl.u32 s24, $0x3  }
0xb: {  	s6 =	sshll.u32 s24, $0x7;
	s28 =	sshrl.u32 s26, $0x3;
	[dreg:$0x3] =	wrdreg s22  }
0xc: {  	s30 =	sshrl.u32 s7, $0x3;
	[dreg:$0x4] =	wrdreg s5;
	s25 =	sadd.s32 s8, s10  }
0xd: {  	s7 =	sshll.u32 s7, $0x7;
	s6 =	sadd.s32 s1, s6;
	[dreg:$0x5] =	wrdreg s25  }
0xe: {  	s23 =	simm.s32 $0x80;
	s31 =	sadd.s32 s1, s7;
	[dreg:$0x6] =	wrdreg s6  }
0xf: {  	s10 =	sshll.u32 s26, $0x7;
	s6 =	sadd.s32 s8, s28;
	[dreg:$0xa] =	wrdreg s31  }
0x10: {  	v2 =	vlaneseq.u32;
	s5 =	sadd.s32 $0xE00, s0;
	s29 =	sadd.s32 s1, s10;
	[dreg:$0x7] =	wrdreg s6  }
0x11: {  	vm0 =	vmmov $0xffff;
	v1 =	vshrl.u32 v2, $0x3;
	s7 =	smax.u32 s9, $0x1;
	s8 =	sadd.s32 s8, s30;
	[dreg:$0x8] =	wrdreg s29  }
0x12: {  	v0 =	vand.u32 $0x7, v2;
	v2 =	vor.u32 $0x8, v2;
	v1 =	vmul.u32 $0x8, v1;
	s6 =	sadd.s32 $0xF00, s0;
	[dreg:$0x9] =	wrdreg s8;
	s8 =	simm.s32 $0x2  }
.LBB2_1:
0x13: {  	s19 =	rddreg [dreg:$0x3]  }
0x14: {  	[tilespmem:s2], [sflag:$0x2] =	stream.linear.gather [hbm4b:s19+s2], $0x40, $0x38;
	[tilespmem:$0x10080] =	vst v63  }
0x15: {  	_ =	swait.ge [sflag:s8], $0x40  }
0x16: {  	[sflag:s8] =	ssyncset.done $0x0  }
0x17: {  	[sflag:s8] =	ssyncadd.s32 $0xFFFFFFC0  }
0x18: {  	v3 =	vld [tilespmem:$0x0];
	_ =	sdelay $0x4  }
0x19: {  	v4 =	vshll.u32 v3, $0x3  }
0x1a: {  	v3 =	vand.u32 $0x7, v3;
	v4 =	vand.u32 $0xFFFFFFC0, v4  }
0x1b: {  	v3 =	vor.u32 v3, v4  }
0x1c: {  	v4 =	vperm.xlane v3, v0;
	_ =	sdelay $0x1  }
0x1d: {  	v4 =	vadd.s32 v1, v4;
	_ =	sdelay $0x4  }
0x1e: {  	[tilespmem:s23], [sflag:$0x1] =	stream.indirect_vreg.gather [hbm4b:s3+s2], $0x80, v4, vm0, $0xb8;
	[tilespmem:$0x10080] =	vst v63  }
0x1f: {  	s0 =	simm.s32 $0x880;
	v3 =	vperm.xlane v3, v2  }
0x20: {  	[tilespmem:s0], [sflag:$0x1] =	stream.indirect_vreg.gather [hbm4b:s4+s2], $0x80, v4, vm0, $0xb8;
	[tilespmem:$0x10080] =	vst v63  }
0x21: {  	s12 =	simm.s32 $0x1080;
	v3 =	vadd.s32 v1, v3  }
0x22: {  	[tilespmem:s12], [sflag:$0x1] =	stream.indirect_vreg.gather [hbm4b:s5+s2], $0x80, v4, vm0, $0xb8;
	[tilespmem:$0x10080] =	vst v63  }
0x23: {  	s13 =	simm.s32 $0x1880  }
0x24: {  	[tilespmem:s13], [sflag:$0x1] =	stream.indirect_vreg.gather [hbm4b:s6+s2], $0x80, v4, vm0, $0xb8;
	[tilespmem:$0x10080] =	vst v63  }
0x25: {  	s15 =	simm.s32 $0x2080  }
0x26: {  	[tilespmem:s15], [sflag:$0x1] =	stream.indirect_vreg.gather [hbm4b:s3+s2], $0x80, v3, vm0, $0xb8;
	[tilespmem:$0x10080] =	vst v63  }
0x27: {  	s16 =	simm.s32 $0x2880  }
0x28: {  	[tilespmem:s16], [sflag:$0x1] =	stream.indirect_vreg.gather [hbm4b:s4+s2], $0x80, v3, vm0, $0xb8;
	[tilespmem:$0x10080] =	vst v63  }
0x29: {  	s17 =	simm.s32 $0x3080  }
0x2a: {  	[tilespmem:s17], [sflag:$0x1] =	stream.indirect_vreg.gather [hbm4b:s5+s2], $0x80, v3, vm0, $0xb8;
	[tilespmem:$0x10080] =	vst v63  }
0x2b: {  	s19 =	simm.s32 $0x3880  }
0x2c: {  	[tilespmem:s19], [sflag:$0x1] =	stream.indirect_vreg.gather [hbm4b:s6+s2], $0x80, v3, vm0, $0xb8;
	[tilespmem:$0x10080] =	vst v63  }
0x2d: {  	v3 =	vld [tilespmem:$0x10];
	_ =	sdelay $0x4  }
0x2e: {  	v49 =	vshll.u32 v3, $0x3  }
0x2f: {  	v3 =	vand.u32 $0x7, v3;
	v4 =	vand.u32 $0xFFFFFFC0, v49  }
0x30: {  	v3 =	vor.u32 v3, v4  }
0x31: {  	v4 =	vperm.xlane v3, v0;
	_ =	sdelay $0x1  }
0x32: {  	v4 =	vadd.s32 v1, v4;
	_ =	sdelay $0x3  }
0x33: {  	s20 =	simm.s32 $0x4080  }
0x34: {  	[tilespmem:s20], [sflag:$0x1] =	stream.indirect_vreg.gather [hbm4b:s3+s2], $0x80, v4, vm0, $0xb8;
	[tilespmem:$0x10080] =	vst v63  }
0x35: {  	s21 =	simm.s32 $0x4880;
	v3 =	vperm.xlane v3, v2  }
0x36: {  	[tilespmem:s21], [sflag:$0x1] =	stream.indirect_vreg.gather [hbm4b:s4+s2], $0x80, v4, vm0, $0xb8;
	[tilespmem:$0x10080] =	vst v63  }
0x37: {  	s22 =	simm.s32 $0x5080;
	v3 =	vadd.s32 v1, v3  }
0x38: {  	[tilespmem:s22], [sflag:$0x1] =	stream.indirect_vreg.gather [hbm4b:s5+s2], $0x80, v4, vm0, $0xb8;
	[tilespmem:$0x10080] =	vst v63  }
0x39: {  	s24 =	simm.s32 $0x5880  }
0x3a: {  	[tilespmem:s24], [sflag:$0x1] =	stream.indirect_vreg.gather [hbm4b:s6+s2], $0x80, v4, vm0, $0xb8;
	[tilespmem:$0x10080] =	vst v63  }
0x3b: {  	s25 =	simm.s32 $0x6080  }
0x3c: {  	[tilespmem:s25], [sflag:$0x1] =	stream.indirect_vreg.gather [hbm4b:s3+s2], $0x80, v3, vm0, $0xb8;
	[tilespmem:$0x10080] =	vst v63  }
0x3d: {  	s26 =	simm.s32 $0x6880  }
0x3e: {  	[tilespmem:s26], [sflag:$0x1] =	stream.indirect_vreg.gather [hbm4b:s4+s2], $0x80, v3, vm0, $0xb8;
	[tilespmem:$0x10080] =	vst v63  }
0x3f: {  	s28 =	simm.s32 $0x7080  }
0x40: {  	[tilespmem:s28], [sflag:$0x1] =	stream.indirect_vreg.gather [hbm4b:s5+s2], $0x80, v3, vm0, $0xb8;
	[tilespmem:$0x10080] =	vst v63  }
0x41: {  	s29 =	simm.s32 $0x7880  }
0x42: {  	[tilespmem:s29], [sflag:$0x1] =	stream.indirect_vreg.gather [hbm4b:s6+s2], $0x80, v3, vm0, $0xb8;
	[tilespmem:$0x10080] =	vst v63  }
0x43: {  	v3 =	vld [tilespmem:$0x20];
	_ =	sdelay $0x4  }
0x44: {  	v50 =	vshll.u32 v3, $0x3  }
0x45: {  	v3 =	vand.u32 $0x7, v3;
	v4 =	vand.u32 $0xFFFFFFC0, v50  }
0x46: {  	v3 =	vor.u32 v3, v4  }
0x47: {  	v4 =	vperm.xlane v3, v0;
	_ =	sdelay $0x1  }
0x48: {  	v4 =	vadd.s32 v1, v4;
	_ =	sdelay $0x3  }
0x49: {  	s30 =	simm.s32 $0x8080  }
0x4a: {  	[tilespmem:s30], [sflag:$0x1] =	stream.indirect_vreg.gather [hbm4b:s3+s2], $0x80, v4, vm0, $0xb8;
	[tilespmem:$0x10080] =	vst v63  }
0x4b: {  	s16 =	simm.s32 $0x8880;
	v3 =	vperm.xlane v3, v2  }
0x4c: {  	[tilespmem:s16], [sflag:$0x1] =	stream.indirect_vreg.gather [hbm4b:s4+s2], $0x80, v4, vm0, $0xb8;
	[tilespmem:$0x10080] =	vst v63  }
0x4d: {  	s17 =	simm.s32 $0x9080;
	v3 =	vadd.s32 v1, v3  }
0x4e: {  	[tilespmem:s17], [sflag:$0x1] =	stream.indirect_vreg.gather [hbm4b:s5+s2], $0x80, v4, vm0, $0xb8;
	[tilespmem:$0x10080] =	vst v63  }
0x4f: {  	s19 =	simm.s32 $0x9880  }
0x50: {  	[tilespmem:s19], [sflag:$0x1] =	stream.indirect_vreg.gather [hbm4b:s6+s2], $0x80, v4, vm0, $0xb8;
	[tilespmem:$0x10080] =	vst v63  }
0x51: {  	s20 =	simm.s32 $0xA080  }
0x52: {  	[tilespmem:s20], [sflag:$0x1] =	stream.indirect_vreg.gather [hbm4b:s3+s2], $0x80, v3, vm0, $0xb8;
	[tilespmem:$0x10080] =	vst v63  }
0x53: {  	s21 =	simm.s32 $0xA880  }
0x54: {  	[tilespmem:s21], [sflag:$0x1] =	stream.indirect_vreg.gather [hbm4b:s4+s2], $0x80, v3, vm0, $0xb8;
	[tilespmem:$0x10080] =	vst v63  }
0x55: {  	s22 =	simm.s32 $0xB080  }
0x56: {  	[tilespmem:s22], [sflag:$0x1] =	stream.indirect_vreg.gather [hbm4b:s5+s2], $0x80, v3, vm0, $0xb8;
	[tilespmem:$0x10080] =	vst v63  }
0x57: {  	s24 =	simm.s32 $0xB880  }
0x58: {  	[tilespmem:s24], [sflag:$0x1] =	stream.indirect_vreg.gather [hbm4b:s6+s2], $0x80, v3, vm0, $0xb8;
	[tilespmem:$0x10080] =	vst v63  }
0x59: {  	v3 =	vld [tilespmem:$0x30];
	_ =	sdelay $0x4  }
0x5a: {  	v51 =	vshll.u32 v3, $0x3  }
0x5b: {  	v3 =	vand.u32 $0x7, v3;
	v4 =	vand.u32 $0xFFFFFFC0, v51  }
0x5c: {  	v3 =	vor.u32 v3, v4  }
0x5d: {  	v4 =	vperm.xlane v3, v0;
	_ =	sdelay $0x1  }
0x5e: {  	v4 =	vadd.s32 v1, v4;
	_ =	sdelay $0x3  }
0x5f: {  	s25 =	simm.s32 $0xC080  }
0x60: {  	[tilespmem:s25], [sflag:$0x1] =	stream.indirect_vreg.gather [hbm4b:s3+s2], $0x80, v4, vm0, $0xb8;
	[tilespmem:$0x10080] =	vst v63  }
0x61: {  	s26 =	simm.s32 $0xC880;
	v3 =	vperm.xlane v3, v2  }
0x62: {  	[tilespmem:s26], [sflag:$0x1] =	stream.indirect_vreg.gather [hbm4b:s4+s2], $0x80, v4, vm0, $0xb8;
	[tilespmem:$0x10080] =	vst v63  }
0x63: {  	s29 =	simm.s32 $0xD080;
	v3 =	vadd.s32 v1, v3  }
0x64: {  	[tilespmem:s29], [sflag:$0x1] =	stream.indirect_vreg.gather [hbm4b:s5+s2], $0x80, v4, vm0, $0xb8;
	[tilespmem:$0x10080] =	vst v63  }
0x65: {  	s0 =	simm.s32 $0xD880  }
0x66: {  	[tilespmem:s0], [sflag:$0x1] =	stream.indirect_vreg.gather [hbm4b:s6+s2], $0x80, v4, vm0, $0xb8;
	[tilespmem:$0x10080] =	vst v63  }
0x67: {  	s16 =	simm.s32 $0xE080  }
0x68: {  	[tilespmem:s16], [sflag:$0x1] =	stream.indirect_vreg.gather [hbm4b:s3+s2], $0x80, v3, vm0, $0xb8;
	[tilespmem:$0x10080] =	vst v63  }
0x69: {  	s17 =	simm.s32 $0xE880  }
0x6a: {  	[tilespmem:s17], [sflag:$0x1] =	stream.indirect_vreg.gather [hbm4b:s4+s2], $0x80, v3, vm0, $0xb8;
	[tilespmem:$0x10080] =	vst v63  }
0x6b: {  	s24 =	simm.s32 $0xF080  }
0x6c: {  	[tilespmem:s24], [sflag:$0x1] =	stream.indirect_vreg.gather [hbm4b:s5+s2], $0x80, v3, vm0, $0xb8;
	[tilespmem:$0x10080] =	vst v63  }
0x6d: {  	s25 =	simm.s32 $0xF880  }
0x6e: {  	[tilespmem:s25], [sflag:$0x1] =	stream.indirect_vreg.gather [hbm4b:s6+s2], $0x80, v3, vm0, $0xb8;
	[tilespmem:$0x10080] =	vst v63  }
0x6f: {  	_ =	swait.ge [sflag:s18], $0x10000  }
0x70: {  	[sflag:s18] =	ssyncset.done $0x0  }
0x71: {  	s0 =	rddreg [dreg:$0x4];
	[sflag:s18] =	ssyncadd.s32 $0xFFFF0000  }
0x72: {  	[hbm4b:s0+s2] =	stream.linear.scatter [tilespmem:s23], [sflag:$0x2], $0x10000, $0x38;
	[tilespmem:$0x10080] =	vst v63  }
0x73: {  	_ =	swait.ge [sflag:s8], $0x10000  }
0x74: {  	[sflag:s8] =	ssyncset.done $0x0  }
0x75: {  	s16 =	rddreg [dreg:$0x5];
	[sflag:s8] =	ssyncadd.s32 $0xFFFF0000  }
0x76: {  	[tilespmem:s2], [sflag:$0x2] =	stream.linear.gather [hbm4b:s16+s2], $0x40, $0x38;
	[tilespmem:$0x10080] =	vst v63  }
0x77: {  	_ =	swait.ge [sflag:s8], $0x40  }
0x78: {  	[sflag:s8] =	ssyncset.done $0x0  }
0x79: {  	[sflag:s8] =	ssyncadd.s32 $0xFFFFFFC0  }
0x7a: {  	v3 =	vld [tilespmem:$0x0];
	_ =	sdelay $0x4  }
0x7b: {  	v52 =	vshll.u32 v3, $0x3  }
0x7c: {  	v3 =	vand.u32 $0x7, v3;
	v4 =	vand.u32 $0xFFFFFFC0, v52  }
0x7d: {  	v3 =	vor.u32 v3, v4  }
0x7e: {  	v4 =	vperm.xlane v3, v0;
	_ =	sdelay $0x1  }
0x7f: {  	v4 =	vadd.s32 v1, v4;
	_ =	sdelay $0x4  }
0x80: {  	[tilespmem:s23], [sflag:$0x1] =	stream.indirect_vreg.gather [hbm4b:s3+s2], $0x80, v4, vm0, $0xb8;
	[tilespmem:$0x10080] =	vst v63  }
0x81: {  	s14 =	simm.s32 $0x880;
	v3 =	vperm.xlane v3, v2  }
0x82: {  	[tilespmem:s14], [sflag:$0x1] =	stream.indirect_vreg.gather [hbm4b:s4+s2], $0x80, v4, vm0, $0xb8;
	[tilespmem:$0x10080] =	vst v63  }
0x83: {  	s1 =	simm.s32 $0x1080;
	v3 =	vadd.s32 v1, v3  }
0x84: {  	[tilespmem:s1], [sflag:$0x1] =	stream.indirect_vreg.gather [hbm4b:s5+s2], $0x80, v4, vm0, $0xb8;
	[tilespmem:$0x10080] =	vst v63  }
0x85: {  	s9 =	simm.s32 $0x1880  }
0x86: {  	[tilespmem:s9], [sflag:$0x1] =	stream.indirect_vreg.gather [hbm4b:s6+s2], $0x80, v4, vm0, $0xb8;
	[tilespmem:$0x10080] =	vst v63  }
0x87: {  	s10 =	simm.s32 $0x2080  }
0x88: {  	[tilespmem:s10], [sflag:$0x1] =	stream.indirect_vreg.gather [hbm4b:s3+s2], $0x80, v3, vm0, $0xb8;
	[tilespmem:$0x10080] =	vst v63  }
0x89: {  	s11 =	simm.s32 $0x2880  }
0x8a: {  	[tilespmem:s11], [sflag:$0x1] =	stream.indirect_vreg.gather [hbm4b:s4+s2], $0x80, v3, vm0, $0xb8;
	[tilespmem:$0x10080] =	vst v63  }
0x8b: {  	s12 =	simm.s32 $0x3080  }
0x8c: {  	[tilespmem:s12], [sflag:$0x1] =	stream.indirect_vreg.gather [hbm4b:s5+s2], $0x80, v3, vm0, $0xb8;
	[tilespmem:$0x10080] =	vst v63  }
0x8d: {  	s15 =	simm.s32 $0x3880  }
0x8e: {  	[tilespmem:s15], [sflag:$0x1] =	stream.indirect_vreg.gather [hbm4b:s6+s2], $0x80, v3, vm0, $0xb8;
	[tilespmem:$0x10080] =	vst v63  }
0x8f: {  	v3 =	vld [tilespmem:$0x10];
	_ =	sdelay $0x4  }
0x90: {  	v53 =	vshll.u32 v3, $0x3  }
0x91: {  	v3 =	vand.u32 $0x7, v3;
	v4 =	vand.u32 $0xFFFFFFC0, v53  }
0x92: {  	v3 =	vor.u32 v3, v4  }
0x93: {  	v4 =	vperm.xlane v3, v0;
	_ =	sdelay $0x1  }
0x94: {  	v4 =	vadd.s32 v1, v4;
	_ =	sdelay $0x3  }
0x95: {  	s16 =	simm.s32 $0x4080  }
0x96: {  	[tilespmem:s16], [sflag:$0x1] =	stream.indirect_vreg.gather [hbm4b:s3+s2], $0x80, v4, vm0, $0xb8;
	[tilespmem:$0x10080] =	vst v63  }
0x97: {  	s31 =	simm.s32 $0x4880;
	v3 =	vperm.xlane v3, v2  }
0x98: {  	[tilespmem:s31], [sflag:$0x1] =	stream.indirect_vreg.gather [hbm4b:s4+s2], $0x80, v4, vm0, $0xb8;
	[tilespmem:$0x10080] =	vst v63  }
0x99: {  	s13 =	simm.s32 $0x5080;
	v3 =	vadd.s32 v1, v3  }
0x9a: {  	[tilespmem:s13], [sflag:$0x1] =	stream.indirect_vreg.gather [hbm4b:s5+s2], $0x80, v4, vm0, $0xb8;
	[tilespmem:$0x10080] =	vst v63  }
0x9b: {  	s31 =	simm.s32 $0x5880  }
0x9c: {  	[tilespmem:s31], [sflag:$0x1] =	stream.indirect_vreg.gather [hbm4b:s6+s2], $0x80, v4, vm0, $0xb8;
	[tilespmem:$0x10080] =	vst v63  }
0x9d: {  	s0 =	simm.s32 $0x6080  }
0x9e: {  	[tilespmem:s0], [sflag:$0x1] =	stream.indirect_vreg.gather [hbm4b:s3+s2], $0x80, v3, vm0, $0xb8;
	[tilespmem:$0x10080] =	vst v63  }
0x9f: {  	s1 =	simm.s32 $0x6880  }
0xa0: {  	[tilespmem:s1], [sflag:$0x1] =	stream.indirect_vreg.gather [hbm4b:s4+s2], $0x80, v3, vm0, $0xb8;
	[tilespmem:$0x10080] =	vst v63  }
0xa1: {  	s9 =	simm.s32 $0x7080  }
0xa2: {  	[tilespmem:s9], [sflag:$0x1] =	stream.indirect_vreg.gather [hbm4b:s5+s2], $0x80, v3, vm0, $0xb8;
	[tilespmem:$0x10080] =	vst v63  }
0xa3: {  	s13 =	simm.s32 $0x7880  }
0xa4: {  	[tilespmem:s13], [sflag:$0x1] =	stream.indirect_vreg.gather [hbm4b:s6+s2], $0x80, v3, vm0, $0xb8;
	[tilespmem:$0x10080] =	vst v63  }
0xa5: {  	v3 =	vld [tilespmem:$0x20];
	_ =	sdelay $0x4  }
0xa6: {  	v54 =	vshll.u32 v3, $0x3  }
0xa7: {  	v3 =	vand.u32 $0x7, v3;
	v4 =	vand.u32 $0xFFFFFFC0, v54  }
0xa8: {  	v3 =	vor.u32 v3, v4  }
0xa9: {  	v4 =	vperm.xlane v3, v0;
	_ =	sdelay $0x1  }
0xaa: {  	v4 =	vadd.s32 v1, v4;
	_ =	sdelay $0x3  }
0xab: {  	s14 =	simm.s32 $0x8080  }
0xac: {  	[tilespmem:s14], [sflag:$0x1] =	stream.indirect_vreg.gather [hbm4b:s3+s2], $0x80, v4, vm0, $0xb8;
	[tilespmem:$0x10080] =	vst v63  }
0xad: {  	s15 =	simm.s32 $0x8880;
	v3 =	vperm.xlane v3, v2  }
0xae: {  	[tilespmem:s15], [sflag:$0x1] =	stream.indirect_vreg.gather [hbm4b:s4+s2], $0x80, v4, vm0, $0xb8;
	[tilespmem:$0x10080] =	vst v63  }
0xaf: {  	s10 =	simm.s32 $0x9080;
	v3 =	vadd.s32 v1, v3  }
0xb0: {  	[tilespmem:s10], [sflag:$0x1] =	stream.indirect_vreg.gather [hbm4b:s5+s2], $0x80, v4, vm0, $0xb8;
	[tilespmem:$0x10080] =	vst v63  }
0xb1: {  	s11 =	simm.s32 $0x9880  }
0xb2: {  	[tilespmem:s11], [sflag:$0x1] =	stream.indirect_vreg.gather [hbm4b:s6+s2], $0x80, v4, vm0, $0xb8;
	[tilespmem:$0x10080] =	vst v63  }
0xb3: {  	s12 =	simm.s32 $0xA080  }
0xb4: {  	[tilespmem:s12], [sflag:$0x1] =	stream.indirect_vreg.gather [hbm4b:s3+s2], $0x80, v3, vm0, $0xb8;
	[tilespmem:$0x10080] =	vst v63  }
0xb5: {  	s30 =	simm.s32 $0xA880  }
0xb6: {  	[tilespmem:s30], [sflag:$0x1] =	stream.indirect_vreg.gather [hbm4b:s4+s2], $0x80, v3, vm0, $0xb8;
	[tilespmem:$0x10080] =	vst v63  }
0xb7: {  	s28 =	simm.s32 $0xB080  }
0xb8: {  	[tilespmem:s28], [sflag:$0x1] =	stream.indirect_vreg.gather [hbm4b:s5+s2], $0x80, v3, vm0, $0xb8;
	[tilespmem:$0x10080] =	vst v63  }
0xb9: {  	s20 =	simm.s32 $0xB880  }
0xba: {  	[tilespmem:s20], [sflag:$0x1] =	stream.indirect_vreg.gather [hbm4b:s6+s2], $0x80, v3, vm0, $0xb8;
	[tilespmem:$0x10080] =	vst v63  }
0xbb: {  	v3 =	vld [tilespmem:$0x30];
	_ =	sdelay $0x4  }
0xbc: {  	v55 =	vshll.u32 v3, $0x3  }
0xbd: {  	v3 =	vand.u32 $0x7, v3;
	v4 =	vand.u32 $0xFFFFFFC0, v55  }
0xbe: {  	v3 =	vor.u32 v3, v4  }
0xbf: {  	v4 =	vperm.xlane v3, v0;
	_ =	sdelay $0x1  }
0xc0: {  	v4 =	vadd.s32 v1, v4;
	_ =	sdelay $0x3  }
0xc1: {  	s21 =	simm.s32 $0xC080  }
0xc2: {  	[tilespmem:s21], [sflag:$0x1] =	stream.indirect_vreg.gather [hbm4b:s3+s2], $0x80, v4, vm0, $0xb8;
	[tilespmem:$0x10080] =	vst v63  }
0xc3: {  	s22 =	simm.s32 $0xC880;
	v3 =	vperm.xlane v3, v2  }
0xc4: {  	[tilespmem:s22], [sflag:$0x1] =	stream.indirect_vreg.gather [hbm4b:s4+s2], $0x80, v4, vm0, $0xb8;
	[tilespmem:$0x10080] =	vst v63  }
0xc5: {  	v3 =	vadd.s32 v1, v3;
	s22 =	simm.s32 $0xD080  }
0xc6: {  	[tilespmem:s22], [sflag:$0x1] =	stream.indirect_vreg.gather [hbm4b:s5+s2], $0x80, v4, vm0, $0xb8;
	[tilespmem:$0x10080] =	vst v63  }
0xc7: {  	s26 =	simm.s32 $0xD880  }
0xc8: {  	[tilespmem:s26], [sflag:$0x1] =	stream.indirect_vreg.gather [hbm4b:s6+s2], $0x80, v4, vm0, $0xb8;
	[tilespmem:$0x10080] =	vst v63  }
0xc9: {  	s29 =	simm.s32 $0xE080  }
0xca: {  	[tilespmem:s29], [sflag:$0x1] =	stream.indirect_vreg.gather [hbm4b:s3+s2], $0x80, v3, vm0, $0xb8;
	[tilespmem:$0x10080] =	vst v63  }
0xcb: {  	s26 =	simm.s32 $0xE880  }
0xcc: {  	[tilespmem:s26], [sflag:$0x1] =	stream.indirect_vreg.gather [hbm4b:s4+s2], $0x80, v3, vm0, $0xb8;
	[tilespmem:$0x10080] =	vst v63  }
0xcd: {  	s30 =	simm.s32 $0xF080  }
0xce: {  	[tilespmem:s30], [sflag:$0x1] =	stream.indirect_vreg.gather [hbm4b:s5+s2], $0x80, v3, vm0, $0xb8;
	[tilespmem:$0x10080] =	vst v63  }
0xcf: {  	s17 =	simm.s32 $0xF880  }
0xd0: {  	[tilespmem:s17], [sflag:$0x1] =	stream.indirect_vreg.gather [hbm4b:s6+s2], $0x80, v3, vm0, $0xb8;
	[tilespmem:$0x10080] =	vst v63  }
0xd1: {  	_ =	swait.ge [sflag:s18], $0x10000  }
0xd2: {  	[sflag:s18] =	ssyncset.done $0x0  }
0xd3: {  	s21 =	rddreg [dreg:$0x6];
	[sflag:s18] =	ssyncadd.s32 $0xFFFF0000  }
0xd4: {  	[hbm4b:s21+s2] =	stream.linear.scatter [tilespmem:s23], [sflag:$0x2], $0x10000, $0x38;
	[tilespmem:$0x10080] =	vst v63  }
0xd5: {  	_ =	swait.ge [sflag:s8], $0x10000  }
0xd6: {  	[sflag:s8] =	ssyncset.done $0x0  }
0xd7: {  	s17 =	rddreg [dreg:$0x7];
	[sflag:s8] =	ssyncadd.s32 $0xFFFF0000  }
0xd8: {  	[tilespmem:s2], [sflag:$0x2] =	stream.linear.gather [hbm4b:s17+s2], $0x40, $0x38;
	[tilespmem:$0x10080] =	vst v63  }
0xd9: {  	_ =	swait.ge [sflag:s8], $0x40  }
0xda: {  	[sflag:s8] =	ssyncset.done $0x0  }
0xdb: {  	[sflag:s8] =	ssyncadd.s32 $0xFFFFFFC0  }
0xdc: {  	v3 =	vld [tilespmem:$0x0];
	_ =	sdelay $0x4  }
0xdd: {  	v56 =	vshll.u32 v3, $0x3  }
0xde: {  	v3 =	vand.u32 $0x7, v3;
	v4 =	vand.u32 $0xFFFFFFC0, v56  }
0xdf: {  	v3 =	vor.u32 v3, v4  }
0xe0: {  	v4 =	vperm.xlane v3, v0;
	_ =	sdelay $0x1  }
0xe1: {  	v4 =	vadd.s32 v1, v4;
	_ =	sdelay $0x4  }
0xe2: {  	[tilespmem:s23], [sflag:$0x1] =	stream.indirect_vreg.gather [hbm4b:s3+s2], $0x80, v4, vm0, $0xb8;
	[tilespmem:$0x10080] =	vst v63  }
0xe3: {  	s21 =	simm.s32 $0x880;
	v3 =	vperm.xlane v3, v2  }
0xe4: {  	[tilespmem:s21], [sflag:$0x1] =	stream.indirect_vreg.gather [hbm4b:s4+s2], $0x80, v4, vm0, $0xb8;
	[tilespmem:$0x10080] =	vst v63  }
0xe5: {  	s25 =	simm.s32 $0x1080;
	v3 =	vadd.s32 v1, v3  }
0xe6: {  	[tilespmem:s25], [sflag:$0x1] =	stream.indirect_vreg.gather [hbm4b:s5+s2], $0x80, v4, vm0, $0xb8;
	[tilespmem:$0x10080] =	vst v63  }
0xe7: {  	s25 =	simm.s32 $0x1880  }
0xe8: {  	[tilespmem:s25], [sflag:$0x1] =	stream.indirect_vreg.gather [hbm4b:s6+s2], $0x80, v4, vm0, $0xb8;
	[tilespmem:$0x10080] =	vst v63  }
0xe9: {  	s19 =	simm.s32 $0x2080  }
0xea: {  	[tilespmem:s19], [sflag:$0x1] =	stream.indirect_vreg.gather [hbm4b:s3+s2], $0x80, v3, vm0, $0xb8;
	[tilespmem:$0x10080] =	vst v63  }
0xeb: {  	s25 =	simm.s32 $0x2880  }
0xec: {  	[tilespmem:s25], [sflag:$0x1] =	stream.indirect_vreg.gather [hbm4b:s4+s2], $0x80, v3, vm0, $0xb8;
	[tilespmem:$0x10080] =	vst v63  }
0xed: {  	s19 =	simm.s32 $0x3080  }
0xee: {  	[tilespmem:s19], [sflag:$0x1] =	stream.indirect_vreg.gather [hbm4b:s5+s2], $0x80, v3, vm0, $0xb8;
	[tilespmem:$0x10080] =	vst v63  }
0xef: {  	s25 =	simm.s32 $0x3880  }
0xf0: {  	[tilespmem:s25], [sflag:$0x1] =	stream.indirect_vreg.gather [hbm4b:s6+s2], $0x80, v3, vm0, $0xb8;
	[tilespmem:$0x10080] =	vst v63  }
0xf1: {  	v3 =	vld [tilespmem:$0x10];
	_ =	sdelay $0x4  }
0xf2: {  	v57 =	vshll.u32 v3, $0x3  }
0xf3: {  	v3 =	vand.u32 $0x7, v3;
	v4 =	vand.u32 $0xFFFFFFC0, v57  }
0xf4: {  	v3 =	vor.u32 v3, v4  }
0xf5: {  	v4 =	vperm.xlane v3, v0;
	_ =	sdelay $0x1  }
0xf6: {  	v4 =	vadd.s32 v1, v4;
	_ =	sdelay $0x4  }
0xf7: {  	[tilespmem:s16], [sflag:$0x1] =	stream.indirect_vreg.gather [hbm4b:s3+s2], $0x80, v4, vm0, $0xb8;
	[tilespmem:$0x10080] =	vst v63  }
0xf8: {  	s19 =	simm.s32 $0x4880;
	v3 =	vperm.xlane v3, v2  }
0xf9: {  	[tilespmem:s19], [sflag:$0x1] =	stream.indirect_vreg.gather [hbm4b:s4+s2], $0x80, v4, vm0, $0xb8;
	[tilespmem:$0x10080] =	vst v63  }
0xfa: {  	s25 =	simm.s32 $0x5080;
	v3 =	vadd.s32 v1, v3  }
0xfb: {  	[tilespmem:s25], [sflag:$0x1] =	stream.indirect_vreg.gather [hbm4b:s5+s2], $0x80, v4, vm0, $0xb8;
	[tilespmem:$0x10080] =	vst v63  }
0xfc: {  	_ = 	snop  }
0xfd: {  	[tilespmem:s31], [sflag:$0x1] =	stream.indirect_vreg.gather [hbm4b:s6+s2], $0x80, v4, vm0, $0xb8;
	[tilespmem:$0x10080] =	vst v63  }
0xfe: {  	_ = 	snop  }
0xff: {  	[tilespmem:s0], [sflag:$0x1] =	stream.indirect_vreg.gather [hbm4b:s3+s2], $0x80, v3, vm0, $0xb8;
	[tilespmem:$0x10080] =	vst v63  }
0x100: {  	_ = 	snop  }
0x101: {  	[tilespmem:s1], [sflag:$0x1] =	stream.indirect_vreg.gather [hbm4b:s4+s2], $0x80, v3, vm0, $0xb8;
	[tilespmem:$0x10080] =	vst v63  }
0x102: {  	_ = 	snop  }
0x103: {  	[tilespmem:s9], [sflag:$0x1] =	stream.indirect_vreg.gather [hbm4b:s5+s2], $0x80, v3, vm0, $0xb8;
	[tilespmem:$0x10080] =	vst v63  }
0x104: {  	_ = 	snop  }
0x105: {  	[tilespmem:s13], [sflag:$0x1] =	stream.indirect_vreg.gather [hbm4b:s6+s2], $0x80, v3, vm0, $0xb8;
	[tilespmem:$0x10080] =	vst v63  }
0x106: {  	v3 =	vld [tilespmem:$0x20];
	_ =	sdelay $0x4  }
0x107: {  	v58 =	vshll.u32 v3, $0x3  }
0x108: {  	v3 =	vand.u32 $0x7, v3;
	v4 =	vand.u32 $0xFFFFFFC0, v58  }
0x109: {  	v3 =	vor.u32 v3, v4  }
0x10a: {  	v4 =	vperm.xlane v3, v0;
	_ =	sdelay $0x1  }
0x10b: {  	v4 =	vadd.s32 v1, v4;
	_ =	sdelay $0x4  }
0x10c: {  	[tilespmem:s14], [sflag:$0x1] =	stream.indirect_vreg.gather [hbm4b:s3+s2], $0x80, v4, vm0, $0xb8;
	[tilespmem:$0x10080] =	vst v63  }
0x10d: {  	v3 =	vperm.xlane v3, v2  }
0x10e: {  	[tilespmem:s15], [sflag:$0x1] =	stream.indirect_vreg.gather [hbm4b:s4+s2], $0x80, v4, vm0, $0xb8;
	[tilespmem:$0x10080] =	vst v63  }
0x10f: {  	v3 =	vadd.s32 v1, v3  }
0x110: {  	[tilespmem:s10], [sflag:$0x1] =	stream.indirect_vreg.gather [hbm4b:s5+s2], $0x80, v4, vm0, $0xb8;
	[tilespmem:$0x10080] =	vst v63  }
0x111: {  	_ = 	snop  }
0x112: {  	[tilespmem:s11], [sflag:$0x1] =	stream.indirect_vreg.gather [hbm4b:s6+s2], $0x80, v4, vm0, $0xb8;
	[tilespmem:$0x10080] =	vst v63  }
0x113: {  	_ = 	snop  }
0x114: {  	[tilespmem:s12], [sflag:$0x1] =	stream.indirect_vreg.gather [hbm4b:s3+s2], $0x80, v3, vm0, $0xb8;
	[tilespmem:$0x10080] =	vst v63  }
0x115: {  	s24 =	simm.s32 $0xA880  }
0x116: {  	[tilespmem:s24], [sflag:$0x1] =	stream.indirect_vreg.gather [hbm4b:s4+s2], $0x80, v3, vm0, $0xb8;
	[tilespmem:$0x10080] =	vst v63  }
0x117: {  	s28 =	simm.s32 $0xB080  }
0x118: {  	[tilespmem:s28], [sflag:$0x1] =	stream.indirect_vreg.gather [hbm4b:s5+s2], $0x80, v3, vm0, $0xb8;
	[tilespmem:$0x10080] =	vst v63  }
0x119: {  	s28 =	simm.s32 $0xB880  }
0x11a: {  	[tilespmem:s28], [sflag:$0x1] =	stream.indirect_vreg.gather [hbm4b:s6+s2], $0x80, v3, vm0, $0xb8;
	[tilespmem:$0x10080] =	vst v63  }
0x11b: {  	v3 =	vld [tilespmem:$0x30];
	_ =	sdelay $0x4  }
0x11c: {  	v59 =	vshll.u32 v3, $0x3  }
0x11d: {  	v3 =	vand.u32 $0x7, v3;
	v4 =	vand.u32 $0xFFFFFFC0, v59  }
0x11e: {  	v3 =	vor.u32 v3, v4  }
0x11f: {  	v4 =	vperm.xlane v3, v0;
	_ =	sdelay $0x1  }
0x120: {  	v4 =	vadd.s32 v1, v4;
	_ =	sdelay $0x3  }
0x121: {  	s24 =	simm.s32 $0xC080  }
0x122: {  	[tilespmem:s24], [sflag:$0x1] =	stream.indirect_vreg.gather [hbm4b:s3+s2], $0x80, v4, vm0, $0xb8;
	[tilespmem:$0x10080] =	vst v63  }
0x123: {  	s25 =	simm.s32 $0xC880;
	v3 =	vperm.xlane v3, v2  }
0x124: {  	[tilespmem:s25], [sflag:$0x1] =	stream.indirect_vreg.gather [hbm4b:s4+s2], $0x80, v4, vm0, $0xb8;
	[tilespmem:$0x10080] =	vst v63  }
0x125: {  	s20 =	simm.s32 $0xD080;
	v3 =	vadd.s32 v1, v3  }
0x126: {  	[tilespmem:s20], [sflag:$0x1] =	stream.indirect_vreg.gather [hbm4b:s5+s2], $0x80, v4, vm0, $0xb8;
	[tilespmem:$0x10080] =	vst v63  }
0x127: {  	s22 =	simm.s32 $0xD880  }
0x128: {  	[tilespmem:s22], [sflag:$0x1] =	stream.indirect_vreg.gather [hbm4b:s6+s2], $0x80, v4, vm0, $0xb8;
	[tilespmem:$0x10080] =	vst v63  }
0x129: {  	s29 =	simm.s32 $0xE080  }
0x12a: {  	[tilespmem:s29], [sflag:$0x1] =	stream.indirect_vreg.gather [hbm4b:s3+s2], $0x80, v3, vm0, $0xb8;
	[tilespmem:$0x10080] =	vst v63  }
0x12b: {  	s26 =	simm.s32 $0xE880  }
0x12c: {  	[tilespmem:s26], [sflag:$0x1] =	stream.indirect_vreg.gather [hbm4b:s4+s2], $0x80, v3, vm0, $0xb8;
	[tilespmem:$0x10080] =	vst v63  }
0x12d: {  	s30 =	simm.s32 $0xF080  }
0x12e: {  	[tilespmem:s30], [sflag:$0x1] =	stream.indirect_vreg.gather [hbm4b:s5+s2], $0x80, v3, vm0, $0xb8;
	[tilespmem:$0x10080] =	vst v63  }
0x12f: {  	s26 =	simm.s32 $0xF880  }
0x130: {  	[tilespmem:s26], [sflag:$0x1] =	stream.indirect_vreg.gather [hbm4b:s6+s2], $0x80, v3, vm0, $0xb8;
	[tilespmem:$0x10080] =	vst v63  }
0x131: {  	_ =	swait.ge [sflag:s18], $0x10000  }
0x132: {  	[sflag:s18] =	ssyncset.done $0x0  }
0x133: {  	s29 =	rddreg [dreg:$0x8];
	[sflag:s18] =	ssyncadd.s32 $0xFFFF0000  }
0x134: {  	[hbm4b:s29+s2] =	stream.linear.scatter [tilespmem:s23], [sflag:$0x2], $0x10000, $0x38;
	[tilespmem:$0x10080] =	vst v63  }
0x135: {  	_ =	swait.ge [sflag:s8], $0x10000  }
0x136: {  	[sflag:s8] =	ssyncset.done $0x0  }
0x137: {  	s30 =	rddreg [dreg:$0x9];
	[sflag:s8] =	ssyncadd.s32 $0xFFFF0000  }
0x138: {  	[tilespmem:s2], [sflag:$0x2] =	stream.linear.gather [hbm4b:s30+s2], $0x40, $0x38;
	[tilespmem:$0x10080] =	vst v63  }
0x139: {  	_ =	swait.ge [sflag:s8], $0x40  }
0x13a: {  	[sflag:s8] =	ssyncset.done $0x0  }
0x13b: {  	[sflag:s8] =	ssyncadd.s32 $0xFFFFFFC0  }
0x13c: {  	v3 =	vld [tilespmem:$0x0];
	_ =	sdelay $0x4  }
0x13d: {  	v60 =	vshll.u32 v3, $0x3  }
0x13e: {  	v3 =	vand.u32 $0x7, v3;
	v4 =	vand.u32 $0xFFFFFFC0, v60  }
0x13f: {  	v3 =	vor.u32 v3, v4  }
0x140: {  	v4 =	vperm.xlane v3, v0;
	_ =	sdelay $0x1  }
0x141: {  	v4 =	vadd.s32 v1, v4;
	_ =	sdelay $0x4  }
0x142: {  	[tilespmem:s23], [sflag:$0x1] =	stream.indirect_vreg.gather [hbm4b:s3+s2], $0x80, v4, vm0, $0xb8;
	[tilespmem:$0x10080] =	vst v63  }
0x143: {  	s29 =	simm.s32 $0x880;
	v3 =	vperm.xlane v3, v2  }
0x144: {  	[tilespmem:s29], [sflag:$0x1] =	stream.indirect_vreg.gather [hbm4b:s4+s2], $0x80, v4, vm0, $0xb8;
	[tilespmem:$0x10080] =	vst v63  }
0x145: {  	s21 =	simm.s32 $0x1080;
	v3 =	vadd.s32 v1, v3  }
0x146: {  	[tilespmem:s21], [sflag:$0x1] =	stream.indirect_vreg.gather [hbm4b:s5+s2], $0x80, v4, vm0, $0xb8;
	[tilespmem:$0x10080] =	vst v63  }
0x147: {  	s30 =	simm.s32 $0x1880  }
0x148: {  	[tilespmem:s30], [sflag:$0x1] =	stream.indirect_vreg.gather [hbm4b:s6+s2], $0x80, v4, vm0, $0xb8;
	[tilespmem:$0x10080] =	vst v63  }
0x149: {  	s21 =	simm.s32 $0x2080  }
0x14a: {  	[tilespmem:s21], [sflag:$0x1] =	stream.indirect_vreg.gather [hbm4b:s3+s2], $0x80, v3, vm0, $0xb8;
	[tilespmem:$0x10080] =	vst v63  }
0x14b: {  	s29 =	simm.s32 $0x2880  }
0x14c: {  	[tilespmem:s29], [sflag:$0x1] =	stream.indirect_vreg.gather [hbm4b:s4+s2], $0x80, v3, vm0, $0xb8;
	[tilespmem:$0x10080] =	vst v63  }
0x14d: {  	s30 =	simm.s32 $0x3080  }
0x14e: {  	[tilespmem:s30], [sflag:$0x1] =	stream.indirect_vreg.gather [hbm4b:s5+s2], $0x80, v3, vm0, $0xb8;
	[tilespmem:$0x10080] =	vst v63  }
0x14f: {  	s21 =	simm.s32 $0x3880  }
0x150: {  	[tilespmem:s21], [sflag:$0x1] =	stream.indirect_vreg.gather [hbm4b:s6+s2], $0x80, v3, vm0, $0xb8;
	[tilespmem:$0x10080] =	vst v63  }
0x151: {  	v3 =	vld [tilespmem:$0x10];
	_ =	sdelay $0x4  }
0x152: {  	v61 =	vshll.u32 v3, $0x3  }
0x153: {  	v3 =	vand.u32 $0x7, v3;
	v4 =	vand.u32 $0xFFFFFFC0, v61  }
0x154: {  	v3 =	vor.u32 v3, v4  }
0x155: {  	v4 =	vperm.xlane v3, v0;
	_ =	sdelay $0x1  }
0x156: {  	v4 =	vadd.s32 v1, v4;
	_ =	sdelay $0x3  }
0x157: {  	s16 =	simm.s32 $0x4080  }
0x158: {  	[tilespmem:s16], [sflag:$0x1] =	stream.indirect_vreg.gather [hbm4b:s3+s2], $0x80, v4, vm0, $0xb8;
	[tilespmem:$0x10080] =	vst v63  }
0x159: {  	s29 =	simm.s32 $0x4880;
	v3 =	vperm.xlane v3, v2  }
0x15a: {  	[tilespmem:s29], [sflag:$0x1] =	stream.indirect_vreg.gather [hbm4b:s4+s2], $0x80, v4, vm0, $0xb8;
	[tilespmem:$0x10080] =	vst v63  }
0x15b: {  	s30 =	simm.s32 $0x5080;
	v3 =	vadd.s32 v1, v3  }
0x15c: {  	[tilespmem:s30], [sflag:$0x1] =	stream.indirect_vreg.gather [hbm4b:s5+s2], $0x80, v4, vm0, $0xb8;
	[tilespmem:$0x10080] =	vst v63  }
0x15d: {  	s17 =	simm.s32 $0x5880  }
0x15e: {  	[tilespmem:s17], [sflag:$0x1] =	stream.indirect_vreg.gather [hbm4b:s6+s2], $0x80, v4, vm0, $0xb8;
	[tilespmem:$0x10080] =	vst v63  }
0x15f: {  	s0 =	simm.s32 $0x6080  }
0x160: {  	[tilespmem:s0], [sflag:$0x1] =	stream.indirect_vreg.gather [hbm4b:s3+s2], $0x80, v3, vm0, $0xb8;
	[tilespmem:$0x10080] =	vst v63  }
0x161: {  	s1 =	simm.s32 $0x6880  }
0x162: {  	[tilespmem:s1], [sflag:$0x1] =	stream.indirect_vreg.gather [hbm4b:s4+s2], $0x80, v3, vm0, $0xb8;
	[tilespmem:$0x10080] =	vst v63  }
0x163: {  	s9 =	simm.s32 $0x7080  }
0x164: {  	[tilespmem:s9], [sflag:$0x1] =	stream.indirect_vreg.gather [hbm4b:s5+s2], $0x80, v3, vm0, $0xb8;
	[tilespmem:$0x10080] =	vst v63  }
0x165: {  	s13 =	simm.s32 $0x7880  }
0x166: {  	[tilespmem:s13], [sflag:$0x1] =	stream.indirect_vreg.gather [hbm4b:s6+s2], $0x80, v3, vm0, $0xb8;
	[tilespmem:$0x10080] =	vst v63  }
0x167: {  	v3 =	vld [tilespmem:$0x20];
	_ =	sdelay $0x4  }
0x168: {  	v62 =	vshll.u32 v3, $0x3  }
0x169: {  	v3 =	vand.u32 $0x7, v3;
	v4 =	vand.u32 $0xFFFFFFC0, v62  }
0x16a: {  	v3 =	vor.u32 v3, v4  }
0x16b: {  	v4 =	vperm.xlane v3, v0;
	_ =	sdelay $0x1  }
0x16c: {  	v4 =	vadd.s32 v1, v4;
	_ =	sdelay $0x3  }
0x16d: {  	s14 =	simm.s32 $0x8080  }
0x16e: {  	[tilespmem:s14], [sflag:$0x1] =	stream.indirect_vreg.gather [hbm4b:s3+s2], $0x80, v4, vm0, $0xb8;
	[tilespmem:$0x10080] =	vst v63  }
0x16f: {  	s15 =	simm.s32 $0x8880;
	v3 =	vperm.xlane v3, v2  }
0x170: {  	[tilespmem:s15], [sflag:$0x1] =	stream.indirect_vreg.gather [hbm4b:s4+s2], $0x80, v4, vm0, $0xb8;
	[tilespmem:$0x10080] =	vst v63  }
0x171: {  	s10 =	simm.s32 $0x9080;
	v3 =	vadd.s32 v1, v3  }
0x172: {  	[tilespmem:s10], [sflag:$0x1] =	stream.indirect_vreg.gather [hbm4b:s5+s2], $0x80, v4, vm0, $0xb8;
	[tilespmem:$0x10080] =	vst v63  }
0x173: {  	s11 =	simm.s32 $0x9880  }
0x174: {  	[tilespmem:s11], [sflag:$0x1] =	stream.indirect_vreg.gather [hbm4b:s6+s2], $0x80, v4, vm0, $0xb8;
	[tilespmem:$0x10080] =	vst v63  }
0x175: {  	s12 =	simm.s32 $0xA080  }
0x176: {  	[tilespmem:s12], [sflag:$0x1] =	stream.indirect_vreg.gather [hbm4b:s3+s2], $0x80, v3, vm0, $0xb8;
	[tilespmem:$0x10080] =	vst v63  }
0x177: {  	s31 =	simm.s32 $0xA880  }
0x178: {  	[tilespmem:s31], [sflag:$0x1] =	stream.indirect_vreg.gather [hbm4b:s4+s2], $0x80, v3, vm0, $0xb8;
	[tilespmem:$0x10080] =	vst v63  }
0x179: {  	s19 =	simm.s32 $0xB080  }
0x17a: {  	[tilespmem:s19], [sflag:$0x1] =	stream.indirect_vreg.gather [hbm4b:s5+s2], $0x80, v3, vm0, $0xb8;
	[tilespmem:$0x10080] =	vst v63  }
0x17b: {  	s21 =	simm.s32 $0xB880  }
0x17c: {  	[tilespmem:s21], [sflag:$0x1] =	stream.indirect_vreg.gather [hbm4b:s6+s2], $0x80, v3, vm0, $0xb8;
	[tilespmem:$0x10080] =	vst v63  }
0x17d: {  	v3 =	vld [tilespmem:$0x30];
	_ =	sdelay $0x4  }
0x17e: {  	v63 =	vshll.u32 v3, $0x3  }
0x17f: {  	v3 =	vand.u32 $0x7, v3;
	v4 =	vand.u32 $0xFFFFFFC0, v63  }
0x180: {  	v3 =	vor.u32 v3, v4  }
0x181: {  	v4 =	vperm.xlane v3, v0;
	_ =	sdelay $0x1  }
0x182: {  	v4 =	vadd.s32 v1, v4;
	_ =	sdelay $0x3  }
0x183: {  	s29 =	simm.s32 $0xC080  }
0x184: {  	[tilespmem:s29], [sflag:$0x1] =	stream.indirect_vreg.gather [hbm4b:s3+s2], $0x80, v4, vm0, $0xb8;
	[tilespmem:$0x10080] =	vst v63  }
0x185: {  	s30 =	simm.s32 $0xC880;
	v3 =	vperm.xlane v3, v2  }
0x186: {  	[tilespmem:s30], [sflag:$0x1] =	stream.indirect_vreg.gather [hbm4b:s4+s2], $0x80, v4, vm0, $0xb8;
	[tilespmem:$0x10080] =	vst v63  }
0x187: {  	s28 =	simm.s32 $0xD080;
	v3 =	vadd.s32 v1, v3  }
0x188: {  	[tilespmem:s28], [sflag:$0x1] =	stream.indirect_vreg.gather [hbm4b:s5+s2], $0x80, v4, vm0, $0xb8;
	[tilespmem:$0x10080] =	vst v63  }
0x189: {  	s20 =	simm.s32 $0xD880  }
0x18a: {  	[tilespmem:s20], [sflag:$0x1] =	stream.indirect_vreg.gather [hbm4b:s6+s2], $0x80, v4, vm0, $0xb8;
	[tilespmem:$0x10080] =	vst v63  }
0x18b: {  	s24 =	simm.s32 $0xE080  }
0x18c: {  	[tilespmem:s24], [sflag:$0x1] =	stream.indirect_vreg.gather [hbm4b:s3+s2], $0x80, v3, vm0, $0xb8;
	[tilespmem:$0x10080] =	vst v63  }
0x18d: {  	s22 =	simm.s32 $0xE880  }
0x18e: {  	[tilespmem:s22], [sflag:$0x1] =	stream.indirect_vreg.gather [hbm4b:s4+s2], $0x80, v3, vm0, $0xb8;
	[tilespmem:$0x10080] =	vst v63  }
0x18f: {  	s25 =	simm.s32 $0xF080  }
0x190: {  	[tilespmem:s25], [sflag:$0x1] =	stream.indirect_vreg.gather [hbm4b:s5+s2], $0x80, v3, vm0, $0xb8;
	[tilespmem:$0x10080] =	vst v63  }
0x191: {  	s26 =	simm.s32 $0xF880  }
0x192: {  	[tilespmem:s26], [sflag:$0x1] =	stream.indirect_vreg.gather [hbm4b:s6+s2], $0x80, v3, vm0, $0xb8;
	[tilespmem:$0x10080] =	vst v63  }
0x193: {  	_ =	swait.ge [sflag:s18], $0x10000  }
0x194: {  	p0 =	sne.s32 s7, $0x1;
	[sflag:s18] =	ssyncset.done $0x0  }
.Ltmp0:
0x195: {  	s31 =	rddreg [dreg:$0xa];
	[sflag:s18] =	ssyncadd.s32 $0xFFFF0000;
	(pc) =	sbr.rel @p0 .LBB2_1-.Ltmp0, $4  }
0x196: {  	[hbm4b:s31+s2] =	stream.linear.scatter [tilespmem:s23], [sflag:$0x2], $0x10000, $0x38;
	[tilespmem:$0x10080] =	vst v63  }
0x197: {  	_ =	swait.ge [sflag:s8], $0x10000  }
0x198: {  	[sflag:s8] =	ssyncset.done $0x0  }
0x199: {  	s7 =	sadd.s32 $0xFFFFFFFF, s7;
	[sflag:s8] =	ssyncadd.s32 $0xFFFF0000  }
0x19a: {  	_ =	sfence.sel $0x180000  }
0x19b: {  	[bflag:$0x0] =	sbarrier.arrive $0xFFFF  }
0x19c: {  	_ =	strace $0x90000047  }
0x19d: {  	s0 =	stileid.u32;
	[bflag:$0x2] =	sbarrier.arrive $0xFFFF  }
0x19e: {  	p0 =	sne.s32 s0, $0x0;
	s0 =	rddreg [dreg:$0x2]  }
0x19f: {  	s0 =	sadd.s32 @!p0 $0x100000, s0  }
0x1a0: {  	[sflag:s0] =	ssyncadd.tile.s32 @!p0 $0x1;
	_ =	shalt  }
.Lfunc_end2:
_tile_overlayer_lowered:
.L_overlay_start_2:
0x1a1: {  	(tag) =	ssettag $0x2  }
0x1a2: {  	s0 =	rddreg [dreg:$0x0];
	s2 =	stileid.u32  }
0x1a3: {  	s1 =	rddreg [dreg:$0x1];
	p0 =	sne.s32 s2, $0x0  }
0x1a4: {  	s3 =	rddreg [dreg:$0x2];
	[bflag:$0x3] =	sbarrier.arrive $0xFFFF;
	s2 =	simm.s32 @!p0 $0x1C02  }
0x1a5: {  	[timem:s3], [sflag:s2] =	dma.local @!p0 [hbm:s0], s1  }
0x1a6: {  	s0 =	simm.s32 @!p0 $0x2  }
0x1a7: {  	_ =	swait.ge @!p0 [sflag:s0], s1  }
0x1a8: {  	s1 =	ssub.s32 @!p0 $0x0, s1;
	[sflag:s0] =	ssyncset.done @!p0 $0x0  }
0x1a9: {  	[sflag:s0] =	ssyncadd.s32 @!p0 s1  }
0x1aa: {  	[bflag:$0x3] =	sbarrier.arrive $0xFFFF  }
0x1ab: {  	_ =	shalt  }

</sc_bundles>
